<compile_context>
chip_gen: v7x
topology: tpu7x:2x2x1
jax: 0.10.2.dev20260603
libtpu: 0.0.44.dev20260713+nightly
codegen_flags: <defaults>
</compile_context>

<pallas_src>
import functools

import jax
import jax.numpy as jnp
from jax import lax
from jax.experimental import pallas as pl
from jax.experimental.pallas import tpu as pltpu
from jax.experimental.pallas import tpu_sc as plsc

_L = 128
_NBUF = 4


def _gather_kernel(chunks_per_worker, num_cores,
                   idx_hbm, table_hbm, out_hbm, idx_v, rows_v, gsem, wsem):
    wid = lax.axis_index("s") * num_cores + lax.axis_index("c")
    row0 = wid * chunks_per_worker
    pltpu.sync_copy(idx_hbm.at[pl.ds(row0, chunks_per_worker)], idx_v)

    def gather(j, b):
        return pltpu.make_async_copy(
            table_hbm.at[idx_v.at[j]], rows_v.at[b], gsem.at[b])

    def write(j, b):
        return pltpu.make_async_copy(
            rows_v.at[b], out_hbm.at[pl.ds((row0 + j) * _L, _L)], wsem.at[b])

    nsteps = chunks_per_worker // _NBUF

    for b in range(_NBUF):
        gather(b, b).start()

    def step(s, carry):
        j0 = s * _NBUF
        for b in range(_NBUF):
            gather(j0 + b, b).wait()
            write(j0 + b, b).start()
        for b in range(_NBUF):
            write(j0 + b, b).wait()
            gather(j0 + _NBUF + b, b).start()
        return carry

    lax.fori_loop(0, nsteps - 1, step, 0)

    j0 = (nsteps - 1) * _NBUF
    for b in range(_NBUF):
        gather(j0 + b, b).wait()
        write(j0 + b, b).start()
    for b in range(_NBUF):
        write(j0 + b, b).wait()


def kernel(indices, weight):
    orig_shape = indices.shape
    n_tokens = indices.size
    d_model = weight.shape[1]

    info = plsc.get_sparse_core_info()
    nw = info.num_cores * info.num_subcores
    assert n_tokens % (nw * _L) == 0
    chunks_per_worker = n_tokens // (nw * _L)
    assert chunks_per_worker % _NBUF == 0

    idx2d = indices.reshape(n_tokens // _L, _L).astype(jnp.int32)

    mesh = plsc.VectorSubcoreMesh(core_axis_name="c", subcore_axis_name="s")
    body = functools.partial(_gather_kernel, chunks_per_worker, info.num_cores)
    run = pl.kernel(
        body,
        out_type=jax.ShapeDtypeStruct((n_tokens, d_model), jnp.float32),
        mesh=mesh,
        scratch_types=[
            pltpu.VMEM((chunks_per_worker, _L), jnp.int32),
            pltpu.VMEM((_NBUF, _L, d_model), jnp.float32),
            pltpu.SemaphoreType.DMA((_NBUF,)),
            pltpu.SemaphoreType.DMA((_NBUF,)),
        ],
    )
    out = run(idx2d, weight)
    return out.reshape(*orig_shape, d_model)

# --- scband reference (transcript-rebuilt; emitter-appended) ---
"""Pipeline reference for scband-embedding-func-net-54975581389302 (READ-ONLY COPY).

The authoritative reference and input builder live on the scoring server;
editing this copy changes nothing except your own understanding.
"""

import jax, jax.numpy as jnp
import numpy as np

def setup_inputs(seed: int = 0) -> dict:
    key = jax.random.key(seed)
    k1, k2 = jax.random.split(key)
    indices = jax.random.randint(k1, (4096, 200), 0, 100000, dtype=jnp.int64)
    weight = jax.random.normal(k2, (100000, 128), dtype=jnp.float32)
    return {"indices": indices, "weight": weight}

def reference(indices, weight):
    # torch.nn.functional.embedding(indices, weight) == weight[indices]
    out = jnp.take(weight, indices, axis=0)
    return out

if __name__ == "__main__":
    import jax
    _d = setup_inputs()
    print(jax.jit(kernel)(*tuple(_d.values())))

</pallas_src>

<mosaic_0001>
#map = affine_map<(d0, d1) -> (0, 0)>
module attributes {stable_mosaic.version = 14 : i64} {
  func.func @_gather_kernel(%arg0: i32, %arg1: i32, %arg2: memref<6400x128xi32, #tpu.memory_space<hbm>>, %arg3: memref<100000x128xf32, #tpu.memory_space<hbm>>, %arg4: memref<819200x128xf32, #tpu.memory_space<hbm>>, %arg5: memref<200x128xi32, #tpu.memory_space<vmem>>, %arg6: memref<4x128x128xf32, #tpu.memory_space<vmem>>, %arg7: memref<4x!tpu.dma_semaphore, #tpu.memory_space<semaphore_mem>>, %arg8: memref<4x!tpu.dma_semaphore, #tpu.memory_space<semaphore_mem>>) attributes {dimension_semantics = [#tpu.dimension_semantics<core_parallel>, #tpu.dimension_semantics<subcore_parallel>], iteration_bounds = array<i64: 2, 16>, scalar_prefetch = 0 : i64, scratch_operands = 4 : i64, tpu.core_type = #tpu.core_type<sc_vector_subcore>, window_params = [{transform_indices = #map}, {transform_indices = #map}, {transform_indices = #map}]} {
    %mul3A = arith.constant 2 : i32
    %mul3A_0 = arith.muli %arg1, %mul3A : i32
    %add3A = arith.addi %mul3A_0, %arg0 : i32
    %mul3A_1 = arith.constant 200 : i32
    %mul3A_2 = arith.muli %add3A, %mul3A_1 : i32
    "tpu.region"() ({
      %run_scoped3A = tpu.sem_alloc : memref<!tpu.dma_semaphore, #tpu.memory_space<semaphore_mem>>
      %dma_start3A_286 = arith.constant 0 : i32
      %dma_start3A_287 = tpu.memref_slice %arg2[%mul3A_2, %dma_start3A_286] : memref<6400x128xi32, #tpu.memory_space<hbm>> -> memref<200x128xi32, #tpu.memory_space<hbm>>
      %dma_start3A_288 = arith.constant 0 : i32
      %dma_start3A_289 = tpu.memref_slice %arg2[%mul3A_2, %dma_start3A_288] : memref<6400x128xi32, #tpu.memory_space<hbm>> -> memref<200x128xi32, #tpu.memory_space<hbm>>
      tpu.enqueue_dma source(%dma_start3A_289 : memref<200x128xi32, #tpu.memory_space<hbm>>) target(%arg5 : memref<200x128xi32, #tpu.memory_space<vmem>>) target_semaphore(%run_scoped3A : memref<!tpu.dma_semaphore, #tpu.memory_space<semaphore_mem>>)
      %dma_wait3A_290 = arith.constant 0 : i32
      %dma_wait3A_291 = tpu.memref_slice %arg2[%mul3A_2, %dma_wait3A_290] : memref<6400x128xi32, #tpu.memory_space<hbm>> -> memref<200x128xi32, #tpu.memory_space<hbm>>
      %dma_wait3A_292 = arith.constant 0 : i32
      %dma_wait3A_293 = tpu.memref_slice %arg2[%mul3A_2, %dma_wait3A_292] : memref<6400x128xi32, #tpu.memory_space<hbm>> -> memref<200x128xi32, #tpu.memory_space<hbm>>
      tpu.wait_dma2 semaphore(%run_scoped3A : memref<!tpu.dma_semaphore, #tpu.memory_space<semaphore_mem>>) src(%dma_wait3A_293 : memref<200x128xi32, #tpu.memory_space<hbm>>) dst(%arg5 : memref<200x128xi32, #tpu.memory_space<vmem>>)
      tpu.yield
    }) : () -> ()
    %dma_start3A = arith.constant 0 : i32
    %dma_start3A_3 = arith.constant 0 : i32
    %dma_start3A_4 = arith.constant 0 : i32
    %dma_start3A_5 = arith.constant 0 : i32
    %dma_start3A_6 = arith.constant 0 : i32
    %dma_start3A_7 = tpu.memref_slice %arg6[%dma_start3A_3, %dma_start3A_5, %dma_start3A_6] : memref<4x128x128xf32, #tpu.memory_space<vmem>> -> memref<1x128x128xf32, #tpu.memory_space<vmem>>
    %dma_start3A_8 = tpu.memref_squeeze %dma_start3A_7 : memref<1x128x128xf32, #tpu.memory_space<vmem>> -> memref<128x128xf32, #tpu.memory_space<vmem>>
    %dma_start3A_9 = arith.constant 0 : i32
    %dma_start3A_10 = tpu.memref_slice %arg5[%dma_start3A, %dma_start3A_9] : memref<200x128xi32, #tpu.memory_space<vmem>> -> memref<1x128xi32, #tpu.memory_space<vmem>>
    %dma_start3A_11 = tpu.memref_squeeze %dma_start3A_10 : memref<1x128xi32, #tpu.memory_space<vmem>> -> memref<128xi32, #tpu.memory_space<vmem>>
    %dma_start3A_12 = arith.constant 0 : i32
    %dma_start3A_13 = arith.constant 0 : i32
    %dma_start3A_14 = tpu.memref_slice %arg3[%dma_start3A_12, %dma_start3A_13] : memref<100000x128xf32, #tpu.memory_space<hbm>> -> memref<100000x128xf32, #tpu.memory_space<hbm>>
    %dma_start3A_15 = tpu.memref_slice %arg7[%dma_start3A_4] : memref<4x!tpu.dma_semaphore, #tpu.memory_space<semaphore_mem>> -> memref<1x!tpu.dma_semaphore, #tpu.memory_space<semaphore_mem>>
    %dma_start3A_16 = tpu.memref_squeeze %dma_start3A_15 : memref<1x!tpu.dma_semaphore, #tpu.memory_space<semaphore_mem>> -> memref<!tpu.dma_semaphore, #tpu.memory_space<semaphore_mem>>
    tpu.enqueue_indirect_dma source(%dma_start3A_14 : memref<100000x128xf32, #tpu.memory_space<hbm>>) target(%dma_start3A_8 : memref<128x128xf32, #tpu.memory_space<vmem>>) offsets(%dma_start3A_11 : memref<128xi32, #tpu.memory_space<vmem>>) semaphore(%dma_start3A_16 : memref<!tpu.dma_semaphore, #tpu.memory_space<semaphore_mem>>)
    %dma_start3A_17 = arith.constant 1 : i32
    %dma_start3A_18 = arith.constant 1 : i32
    %dma_start3A_19 = arith.constant 1 : i32
    %dma_start3A_20 = arith.constant 0 : i32
    %dma_start3A_21 = arith.constant 0 : i32
    %dma_start3A_22 = tpu.memref_slice %arg6[%dma_start3A_18, %dma_start3A_20, %dma_start3A_21] : memref<4x128x128xf32, #tpu.memory_space<vmem>> -> memref<1x128x128xf32, #tpu.memory_space<vmem>>
    %dma_start3A_23 = tpu.memref_squeeze %dma_start3A_22 : memref<1x128x128xf32, #tpu.memory_space<vmem>> -> memref<128x128xf32, #tpu.memory_space<vmem>>
    %dma_start3A_24 = arith.constant 0 : i32
    %dma_start3A_25 = tpu.memref_slice %arg5[%dma_start3A_17, %dma_start3A_24] : memref<200x128xi32, #tpu.memory_space<vmem>> -> memref<1x128xi32, #tpu.memory_space<vmem>>
    %dma_start3A_26 = tpu.memref_squeeze %dma_start3A_25 : memref<1x128xi32, #tpu.memory_space<vmem>> -> memref<128xi32, #tpu.memory_space<vmem>>
    %dma_start3A_27 = arith.constant 0 : i32
    %dma_start3A_28 = arith.constant 0 : i32
    %dma_start3A_29 = tpu.memref_slice %arg3[%dma_start3A_27, %dma_start3A_28] : memref<100000x128xf32, #tpu.memory_space<hbm>> -> memref<100000x128xf32, #tpu.memory_space<hbm>>
    %dma_start3A_30 = tpu.memref_slice %arg7[%dma_start3A_19] : memref<4x!tpu.dma_semaphore, #tpu.memory_space<semaphore_mem>> -> memref<1x!tpu.dma_semaphore, #tpu.memory_space<semaphore_mem>>
    %dma_start3A_31 = tpu.memref_squeeze %dma_start3A_30 : memref<1x!tpu.dma_semaphore, #tpu.memory_space<semaphore_mem>> -> memref<!tpu.dma_semaphore, #tpu.memory_space<semaphore_mem>>
    tpu.enqueue_indirect_dma source(%dma_start3A_29 : memref<100000x128xf32, #tpu.memory_space<hbm>>) target(%dma_start3A_23 : memref<128x128xf32, #tpu.memory_space<vmem>>) offsets(%dma_start3A_26 : memref<128xi32, #tpu.memory_space<vmem>>) semaphore(%dma_start3A_31 : memref<!tpu.dma_semaphore, #tpu.memory_space<semaphore_mem>>)
    %dma_start3A_32 = arith.constant 2 : i32
    %dma_start3A_33 = arith.constant 2 : i32
    %dma_start3A_34 = arith.constant 2 : i32
    %dma_start3A_35 = arith.constant 0 : i32
    %dma_start3A_36 = arith.constant 0 : i32
    %dma_start3A_37 = tpu.memref_slice %arg6[%dma_start3A_33, %dma_start3A_35, %dma_start3A_36] : memref<4x128x128xf32, #tpu.memory_space<vmem>> -> memref<1x128x128xf32, #tpu.memory_space<vmem>>
    %dma_start3A_38 = tpu.memref_squeeze %dma_start3A_37 : memref<1x128x128xf32, #tpu.memory_space<vmem>> -> memref<128x128xf32, #tpu.memory_space<vmem>>
    %dma_start3A_39 = arith.constant 0 : i32
    %dma_start3A_40 = tpu.memref_slice %arg5[%dma_start3A_32, %dma_start3A_39] : memref<200x128xi32, #tpu.memory_space<vmem>> -> memref<1x128xi32, #tpu.memory_space<vmem>>
    %dma_start3A_41 = tpu.memref_squeeze %dma_start3A_40 : memref<1x128xi32, #tpu.memory_space<vmem>> -> memref<128xi32, #tpu.memory_space<vmem>>
    %dma_start3A_42 = arith.constant 0 : i32
    %dma_start3A_43 = arith.constant 0 : i32
    %dma_start3A_44 = tpu.memref_slice %arg3[%dma_start3A_42, %dma_start3A_43] : memref<100000x128xf32, #tpu.memory_space<hbm>> -> memref<100000x128xf32, #tpu.memory_space<hbm>>
    %dma_start3A_45 = tpu.memref_slice %arg7[%dma_start3A_34] : memref<4x!tpu.dma_semaphore, #tpu.memory_space<semaphore_mem>> -> memref<1x!tpu.dma_semaphore, #tpu.memory_space<semaphore_mem>>
    %dma_start3A_46 = tpu.memref_squeeze %dma_start3A_45 : memref<1x!tpu.dma_semaphore, #tpu.memory_space<semaphore_mem>> -> memref<!tpu.dma_semaphore, #tpu.memory_space<semaphore_mem>>
    tpu.enqueue_indirect_dma source(%dma_start3A_44 : memref<100000x128xf32, #tpu.memory_space<hbm>>) target(%dma_start3A_38 : memref<128x128xf32, #tpu.memory_space<vmem>>) offsets(%dma_start3A_41 : memref<128xi32, #tpu.memory_space<vmem>>) semaphore(%dma_start3A_46 : memref<!tpu.dma_semaphore, #tpu.memory_space<semaphore_mem>>)
    %dma_start3A_47 = arith.constant 3 : i32
    %dma_start3A_48 = arith.constant 3 : i32
    %dma_start3A_49 = arith.constant 3 : i32
    %dma_start3A_50 = arith.constant 0 : i32
    %dma_start3A_51 = arith.constant 0 : i32
    %dma_start3A_52 = tpu.memref_slice %arg6[%dma_start3A_48, %dma_start3A_50, %dma_start3A_51] : memref<4x128x128xf32, #tpu.memory_space<vmem>> -> memref<1x128x128xf32, #tpu.memory_space<vmem>>
    %dma_start3A_53 = tpu.memref_squeeze %dma_start3A_52 : memref<1x128x128xf32, #tpu.memory_space<vmem>> -> memref<128x128xf32, #tpu.memory_space<vmem>>
    %dma_start3A_54 = arith.constant 0 : i32
    %dma_start3A_55 = tpu.memref_slice %arg5[%dma_start3A_47, %dma_start3A_54] : memref<200x128xi32, #tpu.memory_space<vmem>> -> memref<1x128xi32, #tpu.memory_space<vmem>>
    %dma_start3A_56 = tpu.memref_squeeze %dma_start3A_55 : memref<1x128xi32, #tpu.memory_space<vmem>> -> memref<128xi32, #tpu.memory_space<vmem>>
    %dma_start3A_57 = arith.constant 0 : i32
    %dma_start3A_58 = arith.constant 0 : i32
    %dma_start3A_59 = tpu.memref_slice %arg3[%dma_start3A_57, %dma_start3A_58] : memref<100000x128xf32, #tpu.memory_space<hbm>> -> memref<100000x128xf32, #tpu.memory_space<hbm>>
    %dma_start3A_60 = tpu.memref_slice %arg7[%dma_start3A_49] : memref<4x!tpu.dma_semaphore, #tpu.memory_space<semaphore_mem>> -> memref<1x!tpu.dma_semaphore, #tpu.memory_space<semaphore_mem>>
    %dma_start3A_61 = tpu.memref_squeeze %dma_start3A_60 : memref<1x!tpu.dma_semaphore, #tpu.memory_space<semaphore_mem>> -> memref<!tpu.dma_semaphore, #tpu.memory_space<semaphore_mem>>
    tpu.enqueue_indirect_dma source(%dma_start3A_59 : memref<100000x128xf32, #tpu.memory_space<hbm>>) target(%dma_start3A_53 : memref<128x128xf32, #tpu.memory_space<vmem>>) offsets(%dma_start3A_56 : memref<128xi32, #tpu.memory_space<vmem>>) semaphore(%dma_start3A_61 : memref<!tpu.dma_semaphore, #tpu.memory_space<semaphore_mem>>)
    %scan3A = arith.constant 0 : i32
    %scan3A_62 = arith.constant 0 : i32
    %scan3A_63 = arith.constant 49 : i32
    %scan3A_64 = arith.addi %scan3A_62, %scan3A_63 : i32
    %scan3A_65 = arith.constant 1 : i32
    scf.for %scan3A_286 = %scan3A_62 to %scan3A_64 step %scan3A_65  : i32 {
      %mul3A_287 = arith.constant 4 : i32
      %mul3A_288 = arith.muli %scan3A_286, %mul3A_287 : i32
      %add3A_289 = arith.constant 0 : i32
      %add3A_290 = arith.addi %mul3A_288, %add3A_289 : i32
      %dma_wait3A_291 = arith.constant 0 : i32
      %dma_wait3A_292 = arith.constant 0 : i32
      %dma_wait3A_293 = arith.constant 0 : i32
      %dma_wait3A_294 = arith.constant 0 : i32
      %dma_wait3A_295 = tpu.memref_slice %arg6[%dma_wait3A_291, %dma_wait3A_293, %dma_wait3A_294] : memref<4x128x128xf32, #tpu.memory_space<vmem>> -> memref<1x128x128xf32, #tpu.memory_space<vmem>>
      %dma_wait3A_296 = tpu.memref_squeeze %dma_wait3A_295 : memref<1x128x128xf32, #tpu.memory_space<vmem>> -> memref<128x128xf32, #tpu.memory_space<vmem>>
      %dma_wait3A_297 = arith.constant 0 : i32
      %dma_wait3A_298 = tpu.memref_slice %arg5[%add3A_290, %dma_wait3A_297] : memref<200x128xi32, #tpu.memory_space<vmem>> -> memref<1x128xi32, #tpu.memory_space<vmem>>
      %dma_wait3A_299 = tpu.memref_squeeze %dma_wait3A_298 : memref<1x128xi32, #tpu.memory_space<vmem>> -> memref<128xi32, #tpu.memory_space<vmem>>
      %dma_wait3A_300 = arith.constant 0 : i32
      %dma_wait3A_301 = arith.constant 0 : i32
      %dma_wait3A_302 = tpu.memref_slice %arg3[%dma_wait3A_300, %dma_wait3A_301] : memref<100000x128xf32, #tpu.memory_space<hbm>> -> memref<100000x128xf32, #tpu.memory_space<hbm>>
      %dma_wait3A_303 = tpu.memref_slice %arg7[%dma_wait3A_292] : memref<4x!tpu.dma_semaphore, #tpu.memory_space<semaphore_mem>> -> memref<1x!tpu.dma_semaphore, #tpu.memory_space<semaphore_mem>>
      %dma_wait3A_304 = tpu.memref_squeeze %dma_wait3A_303 : memref<1x!tpu.dma_semaphore, #tpu.memory_space<semaphore_mem>> -> memref<!tpu.dma_semaphore, #tpu.memory_space<semaphore_mem>>
      tpu.wait_indirect_dma semaphore(%dma_wait3A_304 : memref<!tpu.dma_semaphore, #tpu.memory_space<semaphore_mem>>) src(%dma_wait3A_302 : memref<100000x128xf32, #tpu.memory_space<hbm>>) dst(%dma_wait3A_296 : memref<128x128xf32, #tpu.memory_space<vmem>>)
      %add3A_305 = arith.constant 0 : i32
      %add3A_306 = arith.addi %mul3A_288, %add3A_305 : i32
      %add3A_307 = arith.addi %mul3A_2, %add3A_306 : i32
      %mul3A_308 = arith.constant 128 : i32
      %mul3A_309 = arith.muli %add3A_307, %mul3A_308 : i32
      %dma_start3A_310 = arith.constant 0 : i32
      %dma_start3A_311 = arith.constant 0 : i32
      %dma_start3A_312 = arith.constant 0 : i32
      %dma_start3A_313 = arith.constant 0 : i32
      %dma_start3A_314 = tpu.memref_slice %arg6[%dma_start3A_310, %dma_start3A_312, %dma_start3A_313] : memref<4x128x128xf32, #tpu.memory_space<vmem>> -> memref<1x128x128xf32, #tpu.memory_space<vmem>>
      %dma_start3A_315 = tpu.memref_squeeze %dma_start3A_314 : memref<1x128x128xf32, #tpu.memory_space<vmem>> -> memref<128x128xf32, #tpu.memory_space<vmem>>
      %dma_start3A_316 = arith.constant 0 : i32
      %dma_start3A_317 = tpu.memref_slice %arg4[%mul3A_309, %dma_start3A_316] : memref<819200x128xf32, #tpu.memory_space<hbm>> -> memref<128x128xf32, #tpu.memory_space<hbm>>
      %dma_start3A_318 = tpu.memref_slice %arg8[%dma_start3A_311] : memref<4x!tpu.dma_semaphore, #tpu.memory_space<semaphore_mem>> -> memref<1x!tpu.dma_semaphore, #tpu.memory_space<semaphore_mem>>
      %dma_start3A_319 = tpu.memref_squeeze %dma_start3A_318 : memref<1x!tpu.dma_semaphore, #tpu.memory_space<semaphore_mem>> -> memref<!tpu.dma_semaphore, #tpu.memory_space<semaphore_mem>>
      %dma_start3A_320 = arith.constant 0 : i32
      %dma_start3A_321 = tpu.memref_slice %arg4[%mul3A_309, %dma_start3A_320] : memref<819200x128xf32, #tpu.memory_space<hbm>> -> memref<128x128xf32, #tpu.memory_space<hbm>>
      %dma_start3A_322 = arith.constant 0 : i32
      %dma_start3A_323 = arith.constant 0 : i32
      %dma_start3A_324 = tpu.memref_slice %arg6[%dma_start3A_310, %dma_start3A_322, %dma_start3A_323] : memref<4x128x128xf32, #tpu.memory_space<vmem>> -> memref<1x128x128xf32, #tpu.memory_space<vmem>>
      %dma_start3A_325 = tpu.memref_squeeze %dma_start3A_324 : memref<1x128x128xf32, #tpu.memory_space<vmem>> -> memref<128x128xf32, #tpu.memory_space<vmem>>
      tpu.enqueue_dma source(%dma_start3A_325 : memref<128x128xf32, #tpu.memory_space<vmem>>) target(%dma_start3A_321 : memref<128x128xf32, #tpu.memory_space<hbm>>) target_semaphore(%dma_start3A_319 : memref<!tpu.dma_semaphore, #tpu.memory_space<semaphore_mem>>)
      %add3A_326 = arith.constant 1 : i32
      %add3A_327 = arith.addi %mul3A_288, %add3A_326 : i32
      %dma_wait3A_328 = arith.constant 1 : i32
      %dma_wait3A_329 = arith.constant 1 : i32
      %dma_wait3A_330 = arith.constant 0 : i32
      %dma_wait3A_331 = arith.constant 0 : i32
      %dma_wait3A_332 = tpu.memref_slice %arg6[%dma_wait3A_328, %dma_wait3A_330, %dma_wait3A_331] : memref<4x128x128xf32, #tpu.memory_space<vmem>> -> memref<1x128x128xf32, #tpu.memory_space<vmem>>
      %dma_wait3A_333 = tpu.memref_squeeze %dma_wait3A_332 : memref<1x128x128xf32, #tpu.memory_space<vmem>> -> memref<128x128xf32, #tpu.memory_space<vmem>>
      %dma_wait3A_334 = arith.constant 0 : i32
      %dma_wait3A_335 = tpu.memref_slice %arg5[%add3A_327, %dma_wait3A_334] : memref<200x128xi32, #tpu.memory_space<vmem>> -> memref<1x128xi32, #tpu.memory_space<vmem>>
      %dma_wait3A_336 = tpu.memref_squeeze %dma_wait3A_335 : memref<1x128xi32, #tpu.memory_space<vmem>> -> memref<128xi32, #tpu.memory_space<vmem>>
      %dma_wait3A_337 = arith.constant 0 : i32
      %dma_wait3A_338 = arith.constant 0 : i32
      %dma_wait3A_339 = tpu.memref_slice %arg3[%dma_wait3A_337, %dma_wait3A_338] : memref<100000x128xf32, #tpu.memory_space<hbm>> -> memref<100000x128xf32, #tpu.memory_space<hbm>>
      %dma_wait3A_340 = tpu.memref_slice %arg7[%dma_wait3A_329] : memref<4x!tpu.dma_semaphore, #tpu.memory_space<semaphore_mem>> -> memref<1x!tpu.dma_semaphore, #tpu.memory_space<semaphore_mem>>
      %dma_wait3A_341 = tpu.memref_squeeze %dma_wait3A_340 : memref<1x!tpu.dma_semaphore, #tpu.memory_space<semaphore_mem>> -> memref<!tpu.dma_semaphore, #tpu.memory_space<semaphore_mem>>
      tpu.wait_indirect_dma semaphore(%dma_wait3A_341 : memref<!tpu.dma_semaphore, #tpu.memory_space<semaphore_mem>>) src(%dma_wait3A_339 : memref<100000x128xf32, #tpu.memory_space<hbm>>) dst(%dma_wait3A_333 : memref<128x128xf32, #tpu.memory_space<vmem>>)
      %add3A_342 = arith.constant 1 : i32
      %add3A_343 = arith.addi %mul3A_288, %add3A_342 : i32
      %add3A_344 = arith.addi %mul3A_2, %add3A_343 : i32
      %mul3A_345 = arith.constant 128 : i32
      %mul3A_346 = arith.muli %add3A_344, %mul3A_345 : i32
      %dma_start3A_347 = arith.constant 1 : i32
      %dma_start3A_348 = arith.constant 1 : i32
      %dma_start3A_349 = arith.constant 0 : i32
      %dma_start3A_350 = arith.constant 0 : i32
      %dma_start3A_351 = tpu.memref_slice %arg6[%dma_start3A_347, %dma_start3A_349, %dma_start3A_350] : memref<4x128x128xf32, #tpu.memory_space<vmem>> -> memref<1x128x128xf32, #tpu.memory_space<vmem>>
      %dma_start3A_352 = tpu.memref_squeeze %dma_start3A_351 : memref<1x128x128xf32, #tpu.memory_space<vmem>> -> memref<128x128xf32, #tpu.memory_space<vmem>>
      %dma_start3A_353 = arith.constant 0 : i32
      %dma_start3A_354 = tpu.memref_slice %arg4[%mul3A_346, %dma_start3A_353] : memref<819200x128xf32, #tpu.memory_space<hbm>> -> memref<128x128xf32, #tpu.memory_space<hbm>>
      %dma_start3A_355 = tpu.memref_slice %arg8[%dma_start3A_348] : memref<4x!tpu.dma_semaphore, #tpu.memory_space<semaphore_mem>> -> memref<1x!tpu.dma_semaphore, #tpu.memory_space<semaphore_mem>>
      %dma_start3A_356 = tpu.memref_squeeze %dma_start3A_355 : memref<1x!tpu.dma_semaphore, #tpu.memory_space<semaphore_mem>> -> memref<!tpu.dma_semaphore, #tpu.memory_space<semaphore_mem>>
      %dma_start3A_357 = arith.constant 0 : i32
      %dma_start3A_358 = tpu.memref_slice %arg4[%mul3A_346, %dma_start3A_357] : memref<819200x128xf32, #tpu.memory_space<hbm>> -> memref<128x128xf32, #tpu.memory_space<hbm>>
      %dma_start3A_359 = arith.constant 0 : i32
      %dma_start3A_360 = arith.constant 0 : i32
      %dma_start3A_361 = tpu.memref_slice %arg6[%dma_start3A_347, %dma_start3A_359, %dma_start3A_360] : memref<4x128x128xf32, #tpu.memory_space<vmem>> -> memref<1x128x128xf32, #tpu.memory_space<vmem>>
      %dma_start3A_362 = tpu.memref_squeeze %dma_start3A_361 : memref<1x128x128xf32, #tpu.memory_space<vmem>> -> memref<128x128xf32, #tpu.memory_space<vmem>>
      tpu.enqueue_dma source(%dma_start3A_362 : memref<128x128xf32, #tpu.memory_space<vmem>>) target(%dma_start3A_358 : memref<128x128xf32, #tpu.memory_space<hbm>>) target_semaphore(%dma_start3A_356 : memref<!tpu.dma_semaphore, #tpu.memory_space<semaphore_mem>>)
      %add3A_363 = arith.constant 2 : i32
      %add3A_364 = arith.addi %mul3A_288, %add3A_363 : i32
      %dma_wait3A_365 = arith.constant 2 : i32
      %dma_wait3A_366 = arith.constant 2 : i32
      %dma_wait3A_367 = arith.constant 0 : i32
      %dma_wait3A_368 = arith.constant 0 : i32
      %dma_wait3A_369 = tpu.memref_slice %arg6[%dma_wait3A_365, %dma_wait3A_367, %dma_wait3A_368] : memref<4x128x128xf32, #tpu.memory_space<vmem>> -> memref<1x128x128xf32, #tpu.memory_space<vmem>>
      %dma_wait3A_370 = tpu.memref_squeeze %dma_wait3A_369 : memref<1x128x128xf32, #tpu.memory_space<vmem>> -> memref<128x128xf32, #tpu.memory_space<vmem>>
      %dma_wait3A_371 = arith.constant 0 : i32
      %dma_wait3A_372 = tpu.memref_slice %arg5[%add3A_364, %dma_wait3A_371] : memref<200x128xi32, #tpu.memory_space<vmem>> -> memref<1x128xi32, #tpu.memory_space<vmem>>
      %dma_wait3A_373 = tpu.memref_squeeze %dma_wait3A_372 : memref<1x128xi32, #tpu.memory_space<vmem>> -> memref<128xi32, #tpu.memory_space<vmem>>
      %dma_wait3A_374 = arith.constant 0 : i32
      %dma_wait3A_375 = arith.constant 0 : i32
      %dma_wait3A_376 = tpu.memref_slice %arg3[%dma_wait3A_374, %dma_wait3A_375] : memref<100000x128xf32, #tpu.memory_space<hbm>> -> memref<100000x128xf32, #tpu.memory_space<hbm>>
      %dma_wait3A_377 = tpu.memref_slice %arg7[%dma_wait3A_366] : memref<4x!tpu.dma_semaphore, #tpu.memory_space<semaphore_mem>> -> memref<1x!tpu.dma_semaphore, #tpu.memory_space<semaphore_mem>>
      %dma_wait3A_378 = tpu.memref_squeeze %dma_wait3A_377 : memref<1x!tpu.dma_semaphore, #tpu.memory_space<semaphore_mem>> -> memref<!tpu.dma_semaphore, #tpu.memory_space<semaphore_mem>>
      tpu.wait_indirect_dma semaphore(%dma_wait3A_378 : memref<!tpu.dma_semaphore, #tpu.memory_space<semaphore_mem>>) src(%dma_wait3A_376 : memref<100000x128xf32, #tpu.memory_space<hbm>>) dst(%dma_wait3A_370 : memref<128x128xf32, #tpu.memory_space<vmem>>)
      %add3A_379 = arith.constant 2 : i32
      %add3A_380 = arith.addi %mul3A_288, %add3A_379 : i32
      %add3A_381 = arith.addi %mul3A_2, %add3A_380 : i32
      %mul3A_382 = arith.constant 128 : i32
      %mul3A_383 = arith.muli %add3A_381, %mul3A_382 : i32
      %dma_start3A_384 = arith.constant 2 : i32
      %dma_start3A_385 = arith.constant 2 : i32
      %dma_start3A_386 = arith.constant 0 : i32
      %dma_start3A_387 = arith.constant 0 : i32
      %dma_start3A_388 = tpu.memref_slice %arg6[%dma_start3A_384, %dma_start3A_386, %dma_start3A_387] : memref<4x128x128xf32, #tpu.memory_space<vmem>> -> memref<1x128x128xf32, #tpu.memory_space<vmem>>
      %dma_start3A_389 = tpu.memref_squeeze %dma_start3A_388 : memref<1x128x128xf32, #tpu.memory_space<vmem>> -> memref<128x128xf32, #tpu.memory_space<vmem>>
      %dma_start3A_390 = arith.constant 0 : i32
      %dma_start3A_391 = tpu.memref_slice %arg4[%mul3A_383, %dma_start3A_390] : memref<819200x128xf32, #tpu.memory_space<hbm>> -> memref<128x128xf32, #tpu.memory_space<hbm>>
      %dma_start3A_392 = tpu.memref_slice %arg8[%dma_start3A_385] : memref<4x!tpu.dma_semaphore, #tpu.memory_space<semaphore_mem>> -> memref<1x!tpu.dma_semaphore, #tpu.memory_space<semaphore_mem>>
      %dma_start3A_393 = tpu.memref_squeeze %dma_start3A_392 : memref<1x!tpu.dma_semaphore, #tpu.memory_space<semaphore_mem>> -> memref<!tpu.dma_semaphore, #tpu.memory_space<semaphore_mem>>
      %dma_start3A_394 = arith.constant 0 : i32
      %dma_start3A_395 = tpu.memref_slice %arg4[%mul3A_383, %dma_start3A_394] : memref<819200x128xf32, #tpu.memory_space<hbm>> -> memref<128x128xf32, #tpu.memory_space<hbm>>
      %dma_start3A_396 = arith.constant 0 : i32
      %dma_start3A_397 = arith.constant 0 : i32
      %dma_start3A_398 = tpu.memref_slice %arg6[%dma_start3A_384, %dma_start3A_396, %dma_start3A_397] : memref<4x128x128xf32, #tpu.memory_space<vmem>> -> memref<1x128x128xf32, #tpu.memory_space<vmem>>
      %dma_start3A_399 = tpu.memref_squeeze %dma_start3A_398 : memref<1x128x128xf32, #tpu.memory_space<vmem>> -> memref<128x128xf32, #tpu.memory_space<vmem>>
      tpu.enqueue_dma source(%dma_start3A_399 : memref<128x128xf32, #tpu.memory_space<vmem>>) target(%dma_start3A_395 : memref<128x128xf32, #tpu.memory_space<hbm>>) target_semaphore(%dma_start3A_393 : memref<!tpu.dma_semaphore, #tpu.memory_space<semaphore_mem>>)
      %add3A_400 = arith.constant 3 : i32
      %add3A_401 = arith.addi %mul3A_288, %add3A_400 : i32
      %dma_wait3A_402 = arith.constant 3 : i32
      %dma_wait3A_403 = arith.constant 3 : i32
      %dma_wait3A_404 = arith.constant 0 : i32
      %dma_wait3A_405 = arith.constant 0 : i32
      %dma_wait3A_406 = tpu.memref_slice %arg6[%dma_wait3A_402, %dma_wait3A_404, %dma_wait3A_405] : memref<4x128x128xf32, #tpu.memory_space<vmem>> -> memref<1x128x128xf32, #tpu.memory_space<vmem>>
      %dma_wait3A_407 = tpu.memref_squeeze %dma_wait3A_406 : memref<1x128x128xf32, #tpu.memory_space<vmem>> -> memref<128x128xf32, #tpu.memory_space<vmem>>
      %dma_wait3A_408 = arith.constant 0 : i32
      %dma_wait3A_409 = tpu.memref_slice %arg5[%add3A_401, %dma_wait3A_408] : memref<200x128xi32, #tpu.memory_space<vmem>> -> memref<1x128xi32, #tpu.memory_space<vmem>>
      %dma_wait3A_410 = tpu.memref_squeeze %dma_wait3A_409 : memref<1x128xi32, #tpu.memory_space<vmem>> -> memref<128xi32, #tpu.memory_space<vmem>>
      %dma_wait3A_411 = arith.constant 0 : i32
      %dma_wait3A_412 = arith.constant 0 : i32
      %dma_wait3A_413 = tpu.memref_slice %arg3[%dma_wait3A_411, %dma_wait3A_412] : memref<100000x128xf32, #tpu.memory_space<hbm>> -> memref<100000x128xf32, #tpu.memory_space<hbm>>
      %dma_wait3A_414 = tpu.memref_slice %arg7[%dma_wait3A_403] : memref<4x!tpu.dma_semaphore, #tpu.memory_space<semaphore_mem>> -> memref<1x!tpu.dma_semaphore, #tpu.memory_space<semaphore_mem>>
      %dma_wait3A_415 = tpu.memref_squeeze %dma_wait3A_414 : memref<1x!tpu.dma_semaphore, #tpu.memory_space<semaphore_mem>> -> memref<!tpu.dma_semaphore, #tpu.memory_space<semaphore_mem>>
      tpu.wait_indirect_dma semaphore(%dma_wait3A_415 : memref<!tpu.dma_semaphore, #tpu.memory_space<semaphore_mem>>) src(%dma_wait3A_413 : memref<100000x128xf32, #tpu.memory_space<hbm>>) dst(%dma_wait3A_407 : memref<128x128xf32, #tpu.memory_space<vmem>>)
      %add3A_416 = arith.constant 3 : i32
      %add3A_417 = arith.addi %mul3A_288, %add3A_416 : i32
      %add3A_418 = arith.addi %mul3A_2, %add3A_417 : i32
      %mul3A_419 = arith.constant 128 : i32
      %mul3A_420 = arith.muli %add3A_418, %mul3A_419 : i32
      %dma_start3A_421 = arith.constant 3 : i32
      %dma_start3A_422 = arith.constant 3 : i32
      %dma_start3A_423 = arith.constant 0 : i32
      %dma_start3A_424 = arith.constant 0 : i32
      %dma_start3A_425 = tpu.memref_slice %arg6[%dma_start3A_421, %dma_start3A_423, %dma_start3A_424] : memref<4x128x128xf32, #tpu.memory_space<vmem>> -> memref<1x128x128xf32, #tpu.memory_space<vmem>>
      %dma_start3A_426 = tpu.memref_squeeze %dma_start3A_425 : memref<1x128x128xf32, #tpu.memory_space<vmem>> -> memref<128x128xf32, #tpu.memory_space<vmem>>
      %dma_start3A_427 = arith.constant 0 : i32
      %dma_start3A_428 = tpu.memref_slice %arg4[%mul3A_420, %dma_start3A_427] : memref<819200x128xf32, #tpu.memory_space<hbm>> -> memref<128x128xf32, #tpu.memory_space<hbm>>
      %dma_start3A_429 = tpu.memref_slice %arg8[%dma_start3A_422] : memref<4x!tpu.dma_semaphore, #tpu.memory_space<semaphore_mem>> -> memref<1x!tpu.dma_semaphore, #tpu.memory_space<semaphore_mem>>
      %dma_start3A_430 = tpu.memref_squeeze %dma_start3A_429 : memref<1x!tpu.dma_semaphore, #tpu.memory_space<semaphore_mem>> -> memref<!tpu.dma_semaphore, #tpu.memory_space<semaphore_mem>>
      %dma_start3A_431 = arith.constant 0 : i32
      %dma_start3A_432 = tpu.memref_slice %arg4[%mul3A_420, %dma_start3A_431] : memref<819200x128xf32, #tpu.memory_space<hbm>> -> memref<128x128xf32, #tpu.memory_space<hbm>>
      %dma_start3A_433 = arith.constant 0 : i32
      %dma_start3A_434 = arith.constant 0 : i32
      %dma_start3A_435 = tpu.memref_slice %arg6[%dma_start3A_421, %dma_start3A_433, %dma_start3A_434] : memref<4x128x128xf32, #tpu.memory_space<vmem>> -> memref<1x128x128xf32, #tpu.memory_space<vmem>>
      %dma_start3A_436 = tpu.memref_squeeze %dma_start3A_435 : memref<1x128x128xf32, #tpu.memory_space<vmem>> -> memref<128x128xf32, #tpu.memory_space<vmem>>
      tpu.enqueue_dma source(%dma_start3A_436 : memref<128x128xf32, #tpu.memory_space<vmem>>) target(%dma_start3A_432 : memref<128x128xf32, #tpu.memory_space<hbm>>) target_semaphore(%dma_start3A_430 : memref<!tpu.dma_semaphore, #tpu.memory_space<semaphore_mem>>)
      %add3A_437 = arith.constant 0 : i32
      %add3A_438 = arith.addi %mul3A_288, %add3A_437 : i32
      %add3A_439 = arith.addi %mul3A_2, %add3A_438 : i32
      %mul3A_440 = arith.constant 128 : i32
      %mul3A_441 = arith.muli %add3A_439, %mul3A_440 : i32
      %dma_wait3A_442 = arith.constant 0 : i32
      %dma_wait3A_443 = arith.constant 0 : i32
      %dma_wait3A_444 = arith.constant 0 : i32
      %dma_wait3A_445 = arith.constant 0 : i32
      %dma_wait3A_446 = tpu.memref_slice %arg6[%dma_wait3A_442, %dma_wait3A_444, %dma_wait3A_445] : memref<4x128x128xf32, #tpu.memory_space<vmem>> -> memref<1x128x128xf32, #tpu.memory_space<vmem>>
      %dma_wait3A_447 = tpu.memref_squeeze %dma_wait3A_446 : memref<1x128x128xf32, #tpu.memory_space<vmem>> -> memref<128x128xf32, #tpu.memory_space<vmem>>
      %dma_wait3A_448 = arith.constant 0 : i32
      %dma_wait3A_449 = tpu.memref_slice %arg4[%mul3A_441, %dma_wait3A_448] : memref<819200x128xf32, #tpu.memory_space<hbm>> -> memref<128x128xf32, #tpu.memory_space<hbm>>
      %dma_wait3A_450 = tpu.memref_slice %arg8[%dma_wait3A_443] : memref<4x!tpu.dma_semaphore, #tpu.memory_space<semaphore_mem>> -> memref<1x!tpu.dma_semaphore, #tpu.memory_space<semaphore_mem>>
      %dma_wait3A_451 = tpu.memref_squeeze %dma_wait3A_450 : memref<1x!tpu.dma_semaphore, #tpu.memory_space<semaphore_mem>> -> memref<!tpu.dma_semaphore, #tpu.memory_space<semaphore_mem>>
      %dma_wait3A_452 = arith.constant 0 : i32
      %dma_wait3A_453 = tpu.memref_slice %arg4[%mul3A_441, %dma_wait3A_452] : memref<819200x128xf32, #tpu.memory_space<hbm>> -> memref<128x128xf32, #tpu.memory_space<hbm>>
      %dma_wait3A_454 = arith.constant 0 : i32
      %dma_wait3A_455 = arith.constant 0 : i32
      %dma_wait3A_456 = tpu.memref_slice %arg6[%dma_wait3A_442, %dma_wait3A_454, %dma_wait3A_455] : memref<4x128x128xf32, #tpu.memory_space<vmem>> -> memref<1x128x128xf32, #tpu.memory_space<vmem>>
      %dma_wait3A_457 = tpu.memref_squeeze %dma_wait3A_456 : memref<1x128x128xf32, #tpu.memory_space<vmem>> -> memref<128x128xf32, #tpu.memory_space<vmem>>
      tpu.wait_dma2 semaphore(%dma_wait3A_451 : memref<!tpu.dma_semaphore, #tpu.memory_space<semaphore_mem>>) src(%dma_wait3A_457 : memref<128x128xf32, #tpu.memory_space<vmem>>) dst(%dma_wait3A_453 : memref<128x128xf32, #tpu.memory_space<hbm>>)
      %add3A_458 = arith.constant 4 : i32
      %add3A_459 = arith.addi %mul3A_288, %add3A_458 : i32
      %add3A_460 = arith.constant 0 : i32
      %add3A_461 = arith.addi %add3A_459, %add3A_460 : i32
      %dma_start3A_462 = arith.constant 0 : i32
      %dma_start3A_463 = arith.constant 0 : i32
      %dma_start3A_464 = arith.constant 0 : i32
      %dma_start3A_465 = arith.constant 0 : i32
      %dma_start3A_466 = tpu.memref_slice %arg6[%dma_start3A_462, %dma_start3A_464, %dma_start3A_465] : memref<4x128x128xf32, #tpu.memory_space<vmem>> -> memref<1x128x128xf32, #tpu.memory_space<vmem>>
      %dma_start3A_467 = tpu.memref_squeeze %dma_start3A_466 : memref<1x128x128xf32, #tpu.memory_space<vmem>> -> memref<128x128xf32, #tpu.memory_space<vmem>>
      %dma_start3A_468 = arith.constant 0 : i32
      %dma_start3A_469 = tpu.memref_slice %arg5[%add3A_461, %dma_start3A_468] : memref<200x128xi32, #tpu.memory_space<vmem>> -> memref<1x128xi32, #tpu.memory_space<vmem>>
      %dma_start3A_470 = tpu.memref_squeeze %dma_start3A_469 : memref<1x128xi32, #tpu.memory_space<vmem>> -> memref<128xi32, #tpu.memory_space<vmem>>
      %dma_start3A_471 = arith.constant 0 : i32
      %dma_start3A_472 = arith.constant 0 : i32
      %dma_start3A_473 = tpu.memref_slice %arg3[%dma_start3A_471, %dma_start3A_472] : memref<100000x128xf32, #tpu.memory_space<hbm>> -> memref<100000x128xf32, #tpu.memory_space<hbm>>
      %dma_start3A_474 = tpu.memref_slice %arg7[%dma_start3A_463] : memref<4x!tpu.dma_semaphore, #tpu.memory_space<semaphore_mem>> -> memref<1x!tpu.dma_semaphore, #tpu.memory_space<semaphore_mem>>
      %dma_start3A_475 = tpu.memref_squeeze %dma_start3A_474 : memref<1x!tpu.dma_semaphore, #tpu.memory_space<semaphore_mem>> -> memref<!tpu.dma_semaphore, #tpu.memory_space<semaphore_mem>>
      tpu.enqueue_indirect_dma source(%dma_start3A_473 : memref<100000x128xf32, #tpu.memory_space<hbm>>) target(%dma_start3A_467 : memref<128x128xf32, #tpu.memory_space<vmem>>) offsets(%dma_start3A_470 : memref<128xi32, #tpu.memory_space<vmem>>) semaphore(%dma_start3A_475 : memref<!tpu.dma_semaphore, #tpu.memory_space<semaphore_mem>>)
      %add3A_476 = arith.constant 1 : i32
      %add3A_477 = arith.addi %mul3A_288, %add3A_476 : i32
      %add3A_478 = arith.addi %mul3A_2, %add3A_477 : i32
      %mul3A_479 = arith.constant 128 : i32
      %mul3A_480 = arith.muli %add3A_478, %mul3A_479 : i32
      %dma_wait3A_481 = arith.constant 1 : i32
      %dma_wait3A_482 = arith.constant 1 : i32
      %dma_wait3A_483 = arith.constant 0 : i32
      %dma_wait3A_484 = arith.constant 0 : i32
      %dma_wait3A_485 = tpu.memref_slice %arg6[%dma_wait3A_481, %dma_wait3A_483, %dma_wait3A_484] : memref<4x128x128xf32, #tpu.memory_space<vmem>> -> memref<1x128x128xf32, #tpu.memory_space<vmem>>
      %dma_wait3A_486 = tpu.memref_squeeze %dma_wait3A_485 : memref<1x128x128xf32, #tpu.memory_space<vmem>> -> memref<128x128xf32, #tpu.memory_space<vmem>>
      %dma_wait3A_487 = arith.constant 0 : i32
      %dma_wait3A_488 = tpu.memref_slice %arg4[%mul3A_480, %dma_wait3A_487] : memref<819200x128xf32, #tpu.memory_space<hbm>> -> memref<128x128xf32, #tpu.memory_space<hbm>>
      %dma_wait3A_489 = tpu.memref_slice %arg8[%dma_wait3A_482] : memref<4x!tpu.dma_semaphore, #tpu.memory_space<semaphore_mem>> -> memref<1x!tpu.dma_semaphore, #tpu.memory_space<semaphore_mem>>
      %dma_wait3A_490 = tpu.memref_squeeze %dma_wait3A_489 : memref<1x!tpu.dma_semaphore, #tpu.memory_space<semaphore_mem>> -> memref<!tpu.dma_semaphore, #tpu.memory_space<semaphore_mem>>
      %dma_wait3A_491 = arith.constant 0 : i32
      %dma_wait3A_492 = tpu.memref_slice %arg4[%mul3A_480, %dma_wait3A_491] : memref<819200x128xf32, #tpu.memory_space<hbm>> -> memref<128x128xf32, #tpu.memory_space<hbm>>
      %dma_wait3A_493 = arith.constant 0 : i32
      %dma_wait3A_494 = arith.constant 0 : i32
      %dma_wait3A_495 = tpu.memref_slice %arg6[%dma_wait3A_481, %dma_wait3A_493, %dma_wait3A_494] : memref<4x128x128xf32, #tpu.memory_space<vmem>> -> memref<1x128x128xf32, #tpu.memory_space<vmem>>
      %dma_wait3A_496 = tpu.memref_squeeze %dma_wait3A_495 : memref<1x128x128xf32, #tpu.memory_space<vmem>> -> memref<128x128xf32, #tpu.memory_space<vmem>>
      tpu.wait_dma2 semaphore(%dma_wait3A_490 : memref<!tpu.dma_semaphore, #tpu.memory_space<semaphore_mem>>) src(%dma_wait3A_496 : memref<128x128xf32, #tpu.memory_space<vmem>>) dst(%dma_wait3A_492 : memref<128x128xf32, #tpu.memory_space<hbm>>)
      %add3A_497 = arith.constant 4 : i32
      %add3A_498 = arith.addi %mul3A_288, %add3A_497 : i32
      %add3A_499 = arith.constant 1 : i32
      %add3A_500 = arith.addi %add3A_498, %add3A_499 : i32
      %dma_start3A_501 = arith.constant 1 : i32
      %dma_start3A_502 = arith.constant 1 : i32
      %dma_start3A_503 = arith.constant 0 : i32
      %dma_start3A_504 = arith.constant 0 : i32
      %dma_start3A_505 = tpu.memref_slice %arg6[%dma_start3A_501, %dma_start3A_503, %dma_start3A_504] : memref<4x128x128xf32, #tpu.memory_space<vmem>> -> memref<1x128x128xf32, #tpu.memory_space<vmem>>
      %dma_start3A_506 = tpu.memref_squeeze %dma_start3A_505 : memref<1x128x128xf32, #tpu.memory_space<vmem>> -> memref<128x128xf32, #tpu.memory_space<vmem>>
      %dma_start3A_507 = arith.constant 0 : i32
      %dma_start3A_508 = tpu.memref_slice %arg5[%add3A_500, %dma_start3A_507] : memref<200x128xi32, #tpu.memory_space<vmem>> -> memref<1x128xi32, #tpu.memory_space<vmem>>
      %dma_start3A_509 = tpu.memref_squeeze %dma_start3A_508 : memref<1x128xi32, #tpu.memory_space<vmem>> -> memref<128xi32, #tpu.memory_space<vmem>>
      %dma_start3A_510 = arith.constant 0 : i32
      %dma_start3A_511 = arith.constant 0 : i32
      %dma_start3A_512 = tpu.memref_slice %arg3[%dma_start3A_510, %dma_start3A_511] : memref<100000x128xf32, #tpu.memory_space<hbm>> -> memref<100000x128xf32, #tpu.memory_space<hbm>>
      %dma_start3A_513 = tpu.memref_slice %arg7[%dma_start3A_502] : memref<4x!tpu.dma_semaphore, #tpu.memory_space<semaphore_mem>> -> memref<1x!tpu.dma_semaphore, #tpu.memory_space<semaphore_mem>>
      %dma_start3A_514 = tpu.memref_squeeze %dma_start3A_513 : memref<1x!tpu.dma_semaphore, #tpu.memory_space<semaphore_mem>> -> memref<!tpu.dma_semaphore, #tpu.memory_space<semaphore_mem>>
      tpu.enqueue_indirect_dma source(%dma_start3A_512 : memref<100000x128xf32, #tpu.memory_space<hbm>>) target(%dma_start3A_506 : memref<128x128xf32, #tpu.memory_space<vmem>>) offsets(%dma_start3A_509 : memref<128xi32, #tpu.memory_space<vmem>>) semaphore(%dma_start3A_514 : memref<!tpu.dma_semaphore, #tpu.memory_space<semaphore_mem>>)
      %add3A_515 = arith.constant 2 : i32
      %add3A_516 = arith.addi %mul3A_288, %add3A_515 : i32
      %add3A_517 = arith.addi %mul3A_2, %add3A_516 : i32
      %mul3A_518 = arith.constant 128 : i32
      %mul3A_519 = arith.muli %add3A_517, %mul3A_518 : i32
      %dma_wait3A_520 = arith.constant 2 : i32
      %dma_wait3A_521 = arith.constant 2 : i32
      %dma_wait3A_522 = arith.constant 0 : i32
      %dma_wait3A_523 = arith.constant 0 : i32
      %dma_wait3A_524 = tpu.memref_slice %arg6[%dma_wait3A_520, %dma_wait3A_522, %dma_wait3A_523] : memref<4x128x128xf32, #tpu.memory_space<vmem>> -> memref<1x128x128xf32, #tpu.memory_space<vmem>>
      %dma_wait3A_525 = tpu.memref_squeeze %dma_wait3A_524 : memref<1x128x128xf32, #tpu.memory_space<vmem>> -> memref<128x128xf32, #tpu.memory_space<vmem>>
      %dma_wait3A_526 = arith.constant 0 : i32
      %dma_wait3A_527 = tpu.memref_slice %arg4[%mul3A_519, %dma_wait3A_526] : memref<819200x128xf32, #tpu.memory_space<hbm>> -> memref<128x128xf32, #tpu.memory_space<hbm>>
      %dma_wait3A_528 = tpu.memref_slice %arg8[%dma_wait3A_521] : memref<4x!tpu.dma_semaphore, #tpu.memory_space<semaphore_mem>> -> memref<1x!tpu.dma_semaphore, #tpu.memory_space<semaphore_mem>>
      %dma_wait3A_529 = tpu.memref_squeeze %dma_wait3A_528 : memref<1x!tpu.dma_semaphore, #tpu.memory_space<semaphore_mem>> -> memref<!tpu.dma_semaphore, #tpu.memory_space<semaphore_mem>>
      %dma_wait3A_530 = arith.constant 0 : i32
      %dma_wait3A_531 = tpu.memref_slice %arg4[%mul3A_519, %dma_wait3A_530] : memref<819200x128xf32, #tpu.memory_space<hbm>> -> memref<128x128xf32, #tpu.memory_space<hbm>>
      %dma_wait3A_532 = arith.constant 0 : i32
      %dma_wait3A_533 = arith.constant 0 : i32
      %dma_wait3A_534 = tpu.memref_slice %arg6[%dma_wait3A_520, %dma_wait3A_532, %dma_wait3A_533] : memref<4x128x128xf32, #tpu.memory_space<vmem>> -> memref<1x128x128xf32, #tpu.memory_space<vmem>>
      %dma_wait3A_535 = tpu.memref_squeeze %dma_wait3A_534 : memref<1x128x128xf32, #tpu.memory_space<vmem>> -> memref<128x128xf32, #tpu.memory_space<vmem>>
      tpu.wait_dma2 semaphore(%dma_wait3A_529 : memref<!tpu.dma_semaphore, #tpu.memory_space<semaphore_mem>>) src(%dma_wait3A_535 : memref<128x128xf32, #tpu.memory_space<vmem>>) dst(%dma_wait3A_531 : memref<128x128xf32, #tpu.memory_space<hbm>>)
      %add3A_536 = arith.constant 4 : i32
      %add3A_537 = arith.addi %mul3A_288, %add3A_536 : i32
      %add3A_538 = arith.constant 2 : i32
      %add3A_539 = arith.addi %add3A_537, %add3A_538 : i32
      %dma_start3A_540 = arith.constant 2 : i32
      %dma_start3A_541 = arith.constant 2 : i32
      %dma_start3A_542 = arith.constant 0 : i32
      %dma_start3A_543 = arith.constant 0 : i32
      %dma_start3A_544 = tpu.memref_slice %arg6[%dma_start3A_540, %dma_start3A_542, %dma_start3A_543] : memref<4x128x128xf32, #tpu.memory_space<vmem>> -> memref<1x128x128xf32, #tpu.memory_space<vmem>>
      %dma_start3A_545 = tpu.memref_squeeze %dma_start3A_544 : memref<1x128x128xf32, #tpu.memory_space<vmem>> -> memref<128x128xf32, #tpu.memory_space<vmem>>
      %dma_start3A_546 = arith.constant 0 : i32
      %dma_start3A_547 = tpu.memref_slice %arg5[%add3A_539, %dma_start3A_546] : memref<200x128xi32, #tpu.memory_space<vmem>> -> memref<1x128xi32, #tpu.memory_space<vmem>>
      %dma_start3A_548 = tpu.memref_squeeze %dma_start3A_547 : memref<1x128xi32, #tpu.memory_space<vmem>> -> memref<128xi32, #tpu.memory_space<vmem>>
      %dma_start3A_549 = arith.constant 0 : i32
      %dma_start3A_550 = arith.constant 0 : i32
      %dma_start3A_551 = tpu.memref_slice %arg3[%dma_start3A_549, %dma_start3A_550] : memref<100000x128xf32, #tpu.memory_space<hbm>> -> memref<100000x128xf32, #tpu.memory_space<hbm>>
      %dma_start3A_552 = tpu.memref_slice %arg7[%dma_start3A_541] : memref<4x!tpu.dma_semaphore, #tpu.memory_space<semaphore_mem>> -> memref<1x!tpu.dma_semaphore, #tpu.memory_space<semaphore_mem>>
      %dma_start3A_553 = tpu.memref_squeeze %dma_start3A_552 : memref<1x!tpu.dma_semaphore, #tpu.memory_space<semaphore_mem>> -> memref<!tpu.dma_semaphore, #tpu.memory_space<semaphore_mem>>
      tpu.enqueue_indirect_dma source(%dma_start3A_551 : memref<100000x128xf32, #tpu.memory_space<hbm>>) target(%dma_start3A_545 : memref<128x128xf32, #tpu.memory_space<vmem>>) offsets(%dma_start3A_548 : memref<128xi32, #tpu.memory_space<vmem>>) semaphore(%dma_start3A_553 : memref<!tpu.dma_semaphore, #tpu.memory_space<semaphore_mem>>)
      %add3A_554 = arith.constant 3 : i32
      %add3A_555 = arith.addi %mul3A_288, %add3A_554 : i32
      %add3A_556 = arith.addi %mul3A_2, %add3A_555 : i32
      %mul3A_557 = arith.constant 128 : i32
      %mul3A_558 = arith.muli %add3A_556, %mul3A_557 : i32
      %dma_wait3A_559 = arith.constant 3 : i32
      %dma_wait3A_560 = arith.constant 3 : i32
      %dma_wait3A_561 = arith.constant 0 : i32
      %dma_wait3A_562 = arith.constant 0 : i32
      %dma_wait3A_563 = tpu.memref_slice %arg6[%dma_wait3A_559, %dma_wait3A_561, %dma_wait3A_562] : memref<4x128x128xf32, #tpu.memory_space<vmem>> -> memref<1x128x128xf32, #tpu.memory_space<vmem>>
      %dma_wait3A_564 = tpu.memref_squeeze %dma_wait3A_563 : memref<1x128x128xf32, #tpu.memory_space<vmem>> -> memref<128x128xf32, #tpu.memory_space<vmem>>
      %dma_wait3A_565 = arith.constant 0 : i32
      %dma_wait3A_566 = tpu.memref_slice %arg4[%mul3A_558, %dma_wait3A_565] : memref<819200x128xf32, #tpu.memory_space<hbm>> -> memref<128x128xf32, #tpu.memory_space<hbm>>
      %dma_wait3A_567 = tpu.memref_slice %arg8[%dma_wait3A_560] : memref<4x!tpu.dma_semaphore, #tpu.memory_space<semaphore_mem>> -> memref<1x!tpu.dma_semaphore, #tpu.memory_space<semaphore_mem>>
      %dma_wait3A_568 = tpu.memref_squeeze %dma_wait3A_567 : memref<1x!tpu.dma_semaphore, #tpu.memory_space<semaphore_mem>> -> memref<!tpu.dma_semaphore, #tpu.memory_space<semaphore_mem>>
      %dma_wait3A_569 = arith.constant 0 : i32
      %dma_wait3A_570 = tpu.memref_slice %arg4[%mul3A_558, %dma_wait3A_569] : memref<819200x128xf32, #tpu.memory_space<hbm>> -> memref<128x128xf32, #tpu.memory_space<hbm>>
      %dma_wait3A_571 = arith.constant 0 : i32
      %dma_wait3A_572 = arith.constant 0 : i32
      %dma_wait3A_573 = tpu.memref_slice %arg6[%dma_wait3A_559, %dma_wait3A_571, %dma_wait3A_572] : memref<4x128x128xf32, #tpu.memory_space<vmem>> -> memref<1x128x128xf32, #tpu.memory_space<vmem>>
      %dma_wait3A_574 = tpu.memref_squeeze %dma_wait3A_573 : memref<1x128x128xf32, #tpu.memory_space<vmem>> -> memref<128x128xf32, #tpu.memory_space<vmem>>
      tpu.wait_dma2 semaphore(%dma_wait3A_568 : memref<!tpu.dma_semaphore, #tpu.memory_space<semaphore_mem>>) src(%dma_wait3A_574 : memref<128x128xf32, #tpu.memory_space<vmem>>) dst(%dma_wait3A_570 : memref<128x128xf32, #tpu.memory_space<hbm>>)
      %add3A_575 = arith.constant 4 : i32
      %add3A_576 = arith.addi %mul3A_288, %add3A_575 : i32
      %add3A_577 = arith.constant 3 : i32
      %add3A_578 = arith.addi %add3A_576, %add3A_577 : i32
      %dma_start3A_579 = arith.constant 3 : i32
      %dma_start3A_580 = arith.constant 3 : i32
      %dma_start3A_581 = arith.constant 0 : i32
      %dma_start3A_582 = arith.constant 0 : i32
      %dma_start3A_583 = tpu.memref_slice %arg6[%dma_start3A_579, %dma_start3A_581, %dma_start3A_582] : memref<4x128x128xf32, #tpu.memory_space<vmem>> -> memref<1x128x128xf32, #tpu.memory_space<vmem>>
      %dma_start3A_584 = tpu.memref_squeeze %dma_start3A_583 : memref<1x128x128xf32, #tpu.memory_space<vmem>> -> memref<128x128xf32, #tpu.memory_space<vmem>>
      %dma_start3A_585 = arith.constant 0 : i32
      %dma_start3A_586 = tpu.memref_slice %arg5[%add3A_578, %dma_start3A_585] : memref<200x128xi32, #tpu.memory_space<vmem>> -> memref<1x128xi32, #tpu.memory_space<vmem>>
      %dma_start3A_587 = tpu.memref_squeeze %dma_start3A_586 : memref<1x128xi32, #tpu.memory_space<vmem>> -> memref<128xi32, #tpu.memory_space<vmem>>
      %dma_start3A_588 = arith.constant 0 : i32
      %dma_start3A_589 = arith.constant 0 : i32
      %dma_start3A_590 = tpu.memref_slice %arg3[%dma_start3A_588, %dma_start3A_589] : memref<100000x128xf32, #tpu.memory_space<hbm>> -> memref<100000x128xf32, #tpu.memory_space<hbm>>
      %dma_start3A_591 = tpu.memref_slice %arg7[%dma_start3A_580] : memref<4x!tpu.dma_semaphore, #tpu.memory_space<semaphore_mem>> -> memref<1x!tpu.dma_semaphore, #tpu.memory_space<semaphore_mem>>
      %dma_start3A_592 = tpu.memref_squeeze %dma_start3A_591 : memref<1x!tpu.dma_semaphore, #tpu.memory_space<semaphore_mem>> -> memref<!tpu.dma_semaphore, #tpu.memory_space<semaphore_mem>>
      tpu.enqueue_indirect_dma source(%dma_start3A_590 : memref<100000x128xf32, #tpu.memory_space<hbm>>) target(%dma_start3A_584 : memref<128x128xf32, #tpu.memory_space<vmem>>) offsets(%dma_start3A_587 : memref<128xi32, #tpu.memory_space<vmem>>) semaphore(%dma_start3A_592 : memref<!tpu.dma_semaphore, #tpu.memory_space<semaphore_mem>>)
    }
    %scan3A_66 = arith.constant 49 : i32
    %dma_wait3A = arith.constant 196 : i32
    %dma_wait3A_67 = arith.constant 0 : i32
    %dma_wait3A_68 = arith.constant 0 : i32
    %dma_wait3A_69 = arith.constant 0 : i32
    %dma_wait3A_70 = arith.constant 0 : i32
    %dma_wait3A_71 = tpu.memref_slice %arg6[%dma_wait3A_67, %dma_wait3A_69, %dma_wait3A_70] : memref<4x128x128xf32, #tpu.memory_space<vmem>> -> memref<1x128x128xf32, #tpu.memory_space<vmem>>
    %dma_wait3A_72 = tpu.memref_squeeze %dma_wait3A_71 : memref<1x128x128xf32, #tpu.memory_space<vmem>> -> memref<128x128xf32, #tpu.memory_space<vmem>>
    %dma_wait3A_73 = arith.constant 0 : i32
    %dma_wait3A_74 = tpu.memref_slice %arg5[%dma_wait3A, %dma_wait3A_73] : memref<200x128xi32, #tpu.memory_space<vmem>> -> memref<1x128xi32, #tpu.memory_space<vmem>>
    %dma_wait3A_75 = tpu.memref_squeeze %dma_wait3A_74 : memref<1x128xi32, #tpu.memory_space<vmem>> -> memref<128xi32, #tpu.memory_space<vmem>>
    %dma_wait3A_76 = arith.constant 0 : i32
    %dma_wait3A_77 = arith.constant 0 : i32
    %dma_wait3A_78 = tpu.memref_slice %arg3[%dma_wait3A_76, %dma_wait3A_77] : memref<100000x128xf32, #tpu.memory_space<hbm>> -> memref<100000x128xf32, #tpu.memory_space<hbm>>
    %dma_wait3A_79 = tpu.memref_slice %arg7[%dma_wait3A_68] : memref<4x!tpu.dma_semaphore, #tpu.memory_space<semaphore_mem>> -> memref<1x!tpu.dma_semaphore, #tpu.memory_space<semaphore_mem>>
    %dma_wait3A_80 = tpu.memref_squeeze %dma_wait3A_79 : memref<1x!tpu.dma_semaphore, #tpu.memory_space<semaphore_mem>> -> memref<!tpu.dma_semaphore, #tpu.memory_space<semaphore_mem>>
    tpu.wait_indirect_dma semaphore(%dma_wait3A_80 : memref<!tpu.dma_semaphore, #tpu.memory_space<semaphore_mem>>) src(%dma_wait3A_78 : memref<100000x128xf32, #tpu.memory_space<hbm>>) dst(%dma_wait3A_72 : memref<128x128xf32, #tpu.memory_space<vmem>>)
    %add3A_81 = arith.constant 196 : i32
    %add3A_82 = arith.addi %mul3A_2, %add3A_81 : i32
    %mul3A_83 = arith.constant 128 : i32
    %mul3A_84 = arith.muli %add3A_82, %mul3A_83 : i32
    %dma_start3A_85 = arith.constant 0 : i32
    %dma_start3A_86 = arith.constant 0 : i32
    %dma_start3A_87 = arith.constant 0 : i32
    %dma_start3A_88 = arith.constant 0 : i32
    %dma_start3A_89 = tpu.memref_slice %arg6[%dma_start3A_85, %dma_start3A_87, %dma_start3A_88] : memref<4x128x128xf32, #tpu.memory_space<vmem>> -> memref<1x128x128xf32, #tpu.memory_space<vmem>>
    %dma_start3A_90 = tpu.memref_squeeze %dma_start3A_89 : memref<1x128x128xf32, #tpu.memory_space<vmem>> -> memref<128x128xf32, #tpu.memory_space<vmem>>
    %dma_start3A_91 = arith.constant 0 : i32
    %dma_start3A_92 = tpu.memref_slice %arg4[%mul3A_84, %dma_start3A_91] : memref<819200x128xf32, #tpu.memory_space<hbm>> -> memref<128x128xf32, #tpu.memory_space<hbm>>
    %dma_start3A_93 = tpu.memref_slice %arg8[%dma_start3A_86] : memref<4x!tpu.dma_semaphore, #tpu.memory_space<semaphore_mem>> -> memref<1x!tpu.dma_semaphore, #tpu.memory_space<semaphore_mem>>
    %dma_start3A_94 = tpu.memref_squeeze %dma_start3A_93 : memref<1x!tpu.dma_semaphore, #tpu.memory_space<semaphore_mem>> -> memref<!tpu.dma_semaphore, #tpu.memory_space<semaphore_mem>>
    %dma_start3A_95 = arith.constant 0 : i32
    %dma_start3A_96 = tpu.memref_slice %arg4[%mul3A_84, %dma_start3A_95] : memref<819200x128xf32, #tpu.memory_space<hbm>> -> memref<128x128xf32, #tpu.memory_space<hbm>>
    %dma_start3A_97 = arith.constant 0 : i32
    %dma_start3A_98 = arith.constant 0 : i32
    %dma_start3A_99 = tpu.memref_slice %arg6[%dma_start3A_85, %dma_start3A_97, %dma_start3A_98] : memref<4x128x128xf32, #tpu.memory_space<vmem>> -> memref<1x128x128xf32, #tpu.memory_space<vmem>>
    %dma_start3A_100 = tpu.memref_squeeze %dma_start3A_99 : memref<1x128x128xf32, #tpu.memory_space<vmem>> -> memref<128x128xf32, #tpu.memory_space<vmem>>
    tpu.enqueue_dma source(%dma_start3A_100 : memref<128x128xf32, #tpu.memory_space<vmem>>) target(%dma_start3A_96 : memref<128x128xf32, #tpu.memory_space<hbm>>) target_semaphore(%dma_start3A_94 : memref<!tpu.dma_semaphore, #tpu.memory_space<semaphore_mem>>)
    %dma_wait3A_101 = arith.constant 197 : i32
    %dma_wait3A_102 = arith.constant 1 : i32
    %dma_wait3A_103 = arith.constant 1 : i32
    %dma_wait3A_104 = arith.constant 0 : i32
    %dma_wait3A_105 = arith.constant 0 : i32
    %dma_wait3A_106 = tpu.memref_slice %arg6[%dma_wait3A_102, %dma_wait3A_104, %dma_wait3A_105] : memref<4x128x128xf32, #tpu.memory_space<vmem>> -> memref<1x128x128xf32, #tpu.memory_space<vmem>>
    %dma_wait3A_107 = tpu.memref_squeeze %dma_wait3A_106 : memref<1x128x128xf32, #tpu.memory_space<vmem>> -> memref<128x128xf32, #tpu.memory_space<vmem>>
    %dma_wait3A_108 = arith.constant 0 : i32
    %dma_wait3A_109 = tpu.memref_slice %arg5[%dma_wait3A_101, %dma_wait3A_108] : memref<200x128xi32, #tpu.memory_space<vmem>> -> memref<1x128xi32, #tpu.memory_space<vmem>>
    %dma_wait3A_110 = tpu.memref_squeeze %dma_wait3A_109 : memref<1x128xi32, #tpu.memory_space<vmem>> -> memref<128xi32, #tpu.memory_space<vmem>>
    %dma_wait3A_111 = arith.constant 0 : i32
    %dma_wait3A_112 = arith.constant 0 : i32
    %dma_wait3A_113 = tpu.memref_slice %arg3[%dma_wait3A_111, %dma_wait3A_112] : memref<100000x128xf32, #tpu.memory_space<hbm>> -> memref<100000x128xf32, #tpu.memory_space<hbm>>
    %dma_wait3A_114 = tpu.memref_slice %arg7[%dma_wait3A_103] : memref<4x!tpu.dma_semaphore, #tpu.memory_space<semaphore_mem>> -> memref<1x!tpu.dma_semaphore, #tpu.memory_space<semaphore_mem>>
    %dma_wait3A_115 = tpu.memref_squeeze %dma_wait3A_114 : memref<1x!tpu.dma_semaphore, #tpu.memory_space<semaphore_mem>> -> memref<!tpu.dma_semaphore, #tpu.memory_space<semaphore_mem>>
    tpu.wait_indirect_dma semaphore(%dma_wait3A_115 : memref<!tpu.dma_semaphore, #tpu.memory_space<semaphore_mem>>) src(%dma_wait3A_113 : memref<100000x128xf32, #tpu.memory_space<hbm>>) dst(%dma_wait3A_107 : memref<128x128xf32, #tpu.memory_space<vmem>>)
    %add3A_116 = arith.constant 197 : i32
    %add3A_117 = arith.addi %mul3A_2, %add3A_116 : i32
    %mul3A_118 = arith.constant 128 : i32
    %mul3A_119 = arith.muli %add3A_117, %mul3A_118 : i32
    %dma_start3A_120 = arith.constant 1 : i32
    %dma_start3A_121 = arith.constant 1 : i32
    %dma_start3A_122 = arith.constant 0 : i32
    %dma_start3A_123 = arith.constant 0 : i32
    %dma_start3A_124 = tpu.memref_slice %arg6[%dma_start3A_120, %dma_start3A_122, %dma_start3A_123] : memref<4x128x128xf32, #tpu.memory_space<vmem>> -> memref<1x128x128xf32, #tpu.memory_space<vmem>>
    %dma_start3A_125 = tpu.memref_squeeze %dma_start3A_124 : memref<1x128x128xf32, #tpu.memory_space<vmem>> -> memref<128x128xf32, #tpu.memory_space<vmem>>
    %dma_start3A_126 = arith.constant 0 : i32
    %dma_start3A_127 = tpu.memref_slice %arg4[%mul3A_119, %dma_start3A_126] : memref<819200x128xf32, #tpu.memory_space<hbm>> -> memref<128x128xf32, #tpu.memory_space<hbm>>
    %dma_start3A_128 = tpu.memref_slice %arg8[%dma_start3A_121] : memref<4x!tpu.dma_semaphore, #tpu.memory_space<semaphore_mem>> -> memref<1x!tpu.dma_semaphore, #tpu.memory_space<semaphore_mem>>
    %dma_start3A_129 = tpu.memref_squeeze %dma_start3A_128 : memref<1x!tpu.dma_semaphore, #tpu.memory_space<semaphore_mem>> -> memref<!tpu.dma_semaphore, #tpu.memory_space<semaphore_mem>>
    %dma_start3A_130 = arith.constant 0 : i32
    %dma_start3A_131 = tpu.memref_slice %arg4[%mul3A_119, %dma_start3A_130] : memref<819200x128xf32, #tpu.memory_space<hbm>> -> memref<128x128xf32, #tpu.memory_space<hbm>>
    %dma_start3A_132 = arith.constant 0 : i32
    %dma_start3A_133 = arith.constant 0 : i32
    %dma_start3A_134 = tpu.memref_slice %arg6[%dma_start3A_120, %dma_start3A_132, %dma_start3A_133] : memref<4x128x128xf32, #tpu.memory_space<vmem>> -> memref<1x128x128xf32, #tpu.memory_space<vmem>>
    %dma_start3A_135 = tpu.memref_squeeze %dma_start3A_134 : memref<1x128x128xf32, #tpu.memory_space<vmem>> -> memref<128x128xf32, #tpu.memory_space<vmem>>
    tpu.enqueue_dma source(%dma_start3A_135 : memref<128x128xf32, #tpu.memory_space<vmem>>) target(%dma_start3A_131 : memref<128x128xf32, #tpu.memory_space<hbm>>) target_semaphore(%dma_start3A_129 : memref<!tpu.dma_semaphore, #tpu.memory_space<semaphore_mem>>)
    %dma_wait3A_136 = arith.constant 198 : i32
    %dma_wait3A_137 = arith.constant 2 : i32
    %dma_wait3A_138 = arith.constant 2 : i32
    %dma_wait3A_139 = arith.constant 0 : i32
    %dma_wait3A_140 = arith.constant 0 : i32
    %dma_wait3A_141 = tpu.memref_slice %arg6[%dma_wait3A_137, %dma_wait3A_139, %dma_wait3A_140] : memref<4x128x128xf32, #tpu.memory_space<vmem>> -> memref<1x128x128xf32, #tpu.memory_space<vmem>>
    %dma_wait3A_142 = tpu.memref_squeeze %dma_wait3A_141 : memref<1x128x128xf32, #tpu.memory_space<vmem>> -> memref<128x128xf32, #tpu.memory_space<vmem>>
    %dma_wait3A_143 = arith.constant 0 : i32
    %dma_wait3A_144 = tpu.memref_slice %arg5[%dma_wait3A_136, %dma_wait3A_143] : memref<200x128xi32, #tpu.memory_space<vmem>> -> memref<1x128xi32, #tpu.memory_space<vmem>>
    %dma_wait3A_145 = tpu.memref_squeeze %dma_wait3A_144 : memref<1x128xi32, #tpu.memory_space<vmem>> -> memref<128xi32, #tpu.memory_space<vmem>>
    %dma_wait3A_146 = arith.constant 0 : i32
    %dma_wait3A_147 = arith.constant 0 : i32
    %dma_wait3A_148 = tpu.memref_slice %arg3[%dma_wait3A_146, %dma_wait3A_147] : memref<100000x128xf32, #tpu.memory_space<hbm>> -> memref<100000x128xf32, #tpu.memory_space<hbm>>
    %dma_wait3A_149 = tpu.memref_slice %arg7[%dma_wait3A_138] : memref<4x!tpu.dma_semaphore, #tpu.memory_space<semaphore_mem>> -> memref<1x!tpu.dma_semaphore, #tpu.memory_space<semaphore_mem>>
    %dma_wait3A_150 = tpu.memref_squeeze %dma_wait3A_149 : memref<1x!tpu.dma_semaphore, #tpu.memory_space<semaphore_mem>> -> memref<!tpu.dma_semaphore, #tpu.memory_space<semaphore_mem>>
    tpu.wait_indirect_dma semaphore(%dma_wait3A_150 : memref<!tpu.dma_semaphore, #tpu.memory_space<semaphore_mem>>) src(%dma_wait3A_148 : memref<100000x128xf32, #tpu.memory_space<hbm>>) dst(%dma_wait3A_142 : memref<128x128xf32, #tpu.memory_space<vmem>>)
    %add3A_151 = arith.constant 198 : i32
    %add3A_152 = arith.addi %mul3A_2, %add3A_151 : i32
    %mul3A_153 = arith.constant 128 : i32
    %mul3A_154 = arith.muli %add3A_152, %mul3A_153 : i32
    %dma_start3A_155 = arith.constant 2 : i32
    %dma_start3A_156 = arith.constant 2 : i32
    %dma_start3A_157 = arith.constant 0 : i32
    %dma_start3A_158 = arith.constant 0 : i32
    %dma_start3A_159 = tpu.memref_slice %arg6[%dma_start3A_155, %dma_start3A_157, %dma_start3A_158] : memref<4x128x128xf32, #tpu.memory_space<vmem>> -> memref<1x128x128xf32, #tpu.memory_space<vmem>>
    %dma_start3A_160 = tpu.memref_squeeze %dma_start3A_159 : memref<1x128x128xf32, #tpu.memory_space<vmem>> -> memref<128x128xf32, #tpu.memory_space<vmem>>
    %dma_start3A_161 = arith.constant 0 : i32
    %dma_start3A_162 = tpu.memref_slice %arg4[%mul3A_154, %dma_start3A_161] : memref<819200x128xf32, #tpu.memory_space<hbm>> -> memref<128x128xf32, #tpu.memory_space<hbm>>
    %dma_start3A_163 = tpu.memref_slice %arg8[%dma_start3A_156] : memref<4x!tpu.dma_semaphore, #tpu.memory_space<semaphore_mem>> -> memref<1x!tpu.dma_semaphore, #tpu.memory_space<semaphore_mem>>
    %dma_start3A_164 = tpu.memref_squeeze %dma_start3A_163 : memref<1x!tpu.dma_semaphore, #tpu.memory_space<semaphore_mem>> -> memref<!tpu.dma_semaphore, #tpu.memory_space<semaphore_mem>>
    %dma_start3A_165 = arith.constant 0 : i32
    %dma_start3A_166 = tpu.memref_slice %arg4[%mul3A_154, %dma_start3A_165] : memref<819200x128xf32, #tpu.memory_space<hbm>> -> memref<128x128xf32, #tpu.memory_space<hbm>>
    %dma_start3A_167 = arith.constant 0 : i32
    %dma_start3A_168 = arith.constant 0 : i32
    %dma_start3A_169 = tpu.memref_slice %arg6[%dma_start3A_155, %dma_start3A_167, %dma_start3A_168] : memref<4x128x128xf32, #tpu.memory_space<vmem>> -> memref<1x128x128xf32, #tpu.memory_space<vmem>>
    %dma_start3A_170 = tpu.memref_squeeze %dma_start3A_169 : memref<1x128x128xf32, #tpu.memory_space<vmem>> -> memref<128x128xf32, #tpu.memory_space<vmem>>
    tpu.enqueue_dma source(%dma_start3A_170 : memref<128x128xf32, #tpu.memory_space<vmem>>) target(%dma_start3A_166 : memref<128x128xf32, #tpu.memory_space<hbm>>) target_semaphore(%dma_start3A_164 : memref<!tpu.dma_semaphore, #tpu.memory_space<semaphore_mem>>)
    %dma_wait3A_171 = arith.constant 199 : i32
    %dma_wait3A_172 = arith.constant 3 : i32
    %dma_wait3A_173 = arith.constant 3 : i32
    %dma_wait3A_174 = arith.constant 0 : i32
    %dma_wait3A_175 = arith.constant 0 : i32
    %dma_wait3A_176 = tpu.memref_slice %arg6[%dma_wait3A_172, %dma_wait3A_174, %dma_wait3A_175] : memref<4x128x128xf32, #tpu.memory_space<vmem>> -> memref<1x128x128xf32, #tpu.memory_space<vmem>>
    %dma_wait3A_177 = tpu.memref_squeeze %dma_wait3A_176 : memref<1x128x128xf32, #tpu.memory_space<vmem>> -> memref<128x128xf32, #tpu.memory_space<vmem>>
    %dma_wait3A_178 = arith.constant 0 : i32
    %dma_wait3A_179 = tpu.memref_slice %arg5[%dma_wait3A_171, %dma_wait3A_178] : memref<200x128xi32, #tpu.memory_space<vmem>> -> memref<1x128xi32, #tpu.memory_space<vmem>>
    %dma_wait3A_180 = tpu.memref_squeeze %dma_wait3A_179 : memref<1x128xi32, #tpu.memory_space<vmem>> -> memref<128xi32, #tpu.memory_space<vmem>>
    %dma_wait3A_181 = arith.constant 0 : i32
    %dma_wait3A_182 = arith.constant 0 : i32
    %dma_wait3A_183 = tpu.memref_slice %arg3[%dma_wait3A_181, %dma_wait3A_182] : memref<100000x128xf32, #tpu.memory_space<hbm>> -> memref<100000x128xf32, #tpu.memory_space<hbm>>
    %dma_wait3A_184 = tpu.memref_slice %arg7[%dma_wait3A_173] : memref<4x!tpu.dma_semaphore, #tpu.memory_space<semaphore_mem>> -> memref<1x!tpu.dma_semaphore, #tpu.memory_space<semaphore_mem>>
    %dma_wait3A_185 = tpu.memref_squeeze %dma_wait3A_184 : memref<1x!tpu.dma_semaphore, #tpu.memory_space<semaphore_mem>> -> memref<!tpu.dma_semaphore, #tpu.memory_space<semaphore_mem>>
    tpu.wait_indirect_dma semaphore(%dma_wait3A_185 : memref<!tpu.dma_semaphore, #tpu.memory_space<semaphore_mem>>) src(%dma_wait3A_183 : memref<100000x128xf32, #tpu.memory_space<hbm>>) dst(%dma_wait3A_177 : memref<128x128xf32, #tpu.memory_space<vmem>>)
    %add3A_186 = arith.constant 199 : i32
    %add3A_187 = arith.addi %mul3A_2, %add3A_186 : i32
    %mul3A_188 = arith.constant 128 : i32
    %mul3A_189 = arith.muli %add3A_187, %mul3A_188 : i32
    %dma_start3A_190 = arith.constant 3 : i32
    %dma_start3A_191 = arith.constant 3 : i32
    %dma_start3A_192 = arith.constant 0 : i32
    %dma_start3A_193 = arith.constant 0 : i32
    %dma_start3A_194 = tpu.memref_slice %arg6[%dma_start3A_190, %dma_start3A_192, %dma_start3A_193] : memref<4x128x128xf32, #tpu.memory_space<vmem>> -> memref<1x128x128xf32, #tpu.memory_space<vmem>>
    %dma_start3A_195 = tpu.memref_squeeze %dma_start3A_194 : memref<1x128x128xf32, #tpu.memory_space<vmem>> -> memref<128x128xf32, #tpu.memory_space<vmem>>
    %dma_start3A_196 = arith.constant 0 : i32
    %dma_start3A_197 = tpu.memref_slice %arg4[%mul3A_189, %dma_start3A_196] : memref<819200x128xf32, #tpu.memory_space<hbm>> -> memref<128x128xf32, #tpu.memory_space<hbm>>
    %dma_start3A_198 = tpu.memref_slice %arg8[%dma_start3A_191] : memref<4x!tpu.dma_semaphore, #tpu.memory_space<semaphore_mem>> -> memref<1x!tpu.dma_semaphore, #tpu.memory_space<semaphore_mem>>
    %dma_start3A_199 = tpu.memref_squeeze %dma_start3A_198 : memref<1x!tpu.dma_semaphore, #tpu.memory_space<semaphore_mem>> -> memref<!tpu.dma_semaphore, #tpu.memory_space<semaphore_mem>>
    %dma_start3A_200 = arith.constant 0 : i32
    %dma_start3A_201 = tpu.memref_slice %arg4[%mul3A_189, %dma_start3A_200] : memref<819200x128xf32, #tpu.memory_space<hbm>> -> memref<128x128xf32, #tpu.memory_space<hbm>>
    %dma_start3A_202 = arith.constant 0 : i32
    %dma_start3A_203 = arith.constant 0 : i32
    %dma_start3A_204 = tpu.memref_slice %arg6[%dma_start3A_190, %dma_start3A_202, %dma_start3A_203] : memref<4x128x128xf32, #tpu.memory_space<vmem>> -> memref<1x128x128xf32, #tpu.memory_space<vmem>>
    %dma_start3A_205 = tpu.memref_squeeze %dma_start3A_204 : memref<1x128x128xf32, #tpu.memory_space<vmem>> -> memref<128x128xf32, #tpu.memory_space<vmem>>
    tpu.enqueue_dma source(%dma_start3A_205 : memref<128x128xf32, #tpu.memory_space<vmem>>) target(%dma_start3A_201 : memref<128x128xf32, #tpu.memory_space<hbm>>) target_semaphore(%dma_start3A_199 : memref<!tpu.dma_semaphore, #tpu.memory_space<semaphore_mem>>)
    %add3A_206 = arith.constant 196 : i32
    %add3A_207 = arith.addi %mul3A_2, %add3A_206 : i32
    %mul3A_208 = arith.constant 128 : i32
    %mul3A_209 = arith.muli %add3A_207, %mul3A_208 : i32
    %dma_wait3A_210 = arith.constant 0 : i32
    %dma_wait3A_211 = arith.constant 0 : i32
    %dma_wait3A_212 = arith.constant 0 : i32
    %dma_wait3A_213 = arith.constant 0 : i32
    %dma_wait3A_214 = tpu.memref_slice %arg6[%dma_wait3A_210, %dma_wait3A_212, %dma_wait3A_213] : memref<4x128x128xf32, #tpu.memory_space<vmem>> -> memref<1x128x128xf32, #tpu.memory_space<vmem>>
    %dma_wait3A_215 = tpu.memref_squeeze %dma_wait3A_214 : memref<1x128x128xf32, #tpu.memory_space<vmem>> -> memref<128x128xf32, #tpu.memory_space<vmem>>
    %dma_wait3A_216 = arith.constant 0 : i32
    %dma_wait3A_217 = tpu.memref_slice %arg4[%mul3A_209, %dma_wait3A_216] : memref<819200x128xf32, #tpu.memory_space<hbm>> -> memref<128x128xf32, #tpu.memory_space<hbm>>
    %dma_wait3A_218 = tpu.memref_slice %arg8[%dma_wait3A_211] : memref<4x!tpu.dma_semaphore, #tpu.memory_space<semaphore_mem>> -> memref<1x!tpu.dma_semaphore, #tpu.memory_space<semaphore_mem>>
    %dma_wait3A_219 = tpu.memref_squeeze %dma_wait3A_218 : memref<1x!tpu.dma_semaphore, #tpu.memory_space<semaphore_mem>> -> memref<!tpu.dma_semaphore, #tpu.memory_space<semaphore_mem>>
    %dma_wait3A_220 = arith.constant 0 : i32
    %dma_wait3A_221 = tpu.memref_slice %arg4[%mul3A_209, %dma_wait3A_220] : memref<819200x128xf32, #tpu.memory_space<hbm>> -> memref<128x128xf32, #tpu.memory_space<hbm>>
    %dma_wait3A_222 = arith.constant 0 : i32
    %dma_wait3A_223 = arith.constant 0 : i32
    %dma_wait3A_224 = tpu.memref_slice %arg6[%dma_wait3A_210, %dma_wait3A_222, %dma_wait3A_223] : memref<4x128x128xf32, #tpu.memory_space<vmem>> -> memref<1x128x128xf32, #tpu.memory_space<vmem>>
    %dma_wait3A_225 = tpu.memref_squeeze %dma_wait3A_224 : memref<1x128x128xf32, #tpu.memory_space<vmem>> -> memref<128x128xf32, #tpu.memory_space<vmem>>
    tpu.wait_dma2 semaphore(%dma_wait3A_219 : memref<!tpu.dma_semaphore, #tpu.memory_space<semaphore_mem>>) src(%dma_wait3A_225 : memref<128x128xf32, #tpu.memory_space<vmem>>) dst(%dma_wait3A_221 : memref<128x128xf32, #tpu.memory_space<hbm>>)
    %add3A_226 = arith.constant 197 : i32
    %add3A_227 = arith.addi %mul3A_2, %add3A_226 : i32
    %mul3A_228 = arith.constant 128 : i32
    %mul3A_229 = arith.muli %add3A_227, %mul3A_228 : i32
    %dma_wait3A_230 = arith.constant 1 : i32
    %dma_wait3A_231 = arith.constant 1 : i32
    %dma_wait3A_232 = arith.constant 0 : i32
    %dma_wait3A_233 = arith.constant 0 : i32
    %dma_wait3A_234 = tpu.memref_slice %arg6[%dma_wait3A_230, %dma_wait3A_232, %dma_wait3A_233] : memref<4x128x128xf32, #tpu.memory_space<vmem>> -> memref<1x128x128xf32, #tpu.memory_space<vmem>>
    %dma_wait3A_235 = tpu.memref_squeeze %dma_wait3A_234 : memref<1x128x128xf32, #tpu.memory_space<vmem>> -> memref<128x128xf32, #tpu.memory_space<vmem>>
    %dma_wait3A_236 = arith.constant 0 : i32
    %dma_wait3A_237 = tpu.memref_slice %arg4[%mul3A_229, %dma_wait3A_236] : memref<819200x128xf32, #tpu.memory_space<hbm>> -> memref<128x128xf32, #tpu.memory_space<hbm>>
    %dma_wait3A_238 = tpu.memref_slice %arg8[%dma_wait3A_231] : memref<4x!tpu.dma_semaphore, #tpu.memory_space<semaphore_mem>> -> memref<1x!tpu.dma_semaphore, #tpu.memory_space<semaphore_mem>>
    %dma_wait3A_239 = tpu.memref_squeeze %dma_wait3A_238 : memref<1x!tpu.dma_semaphore, #tpu.memory_space<semaphore_mem>> -> memref<!tpu.dma_semaphore, #tpu.memory_space<semaphore_mem>>
    %dma_wait3A_240 = arith.constant 0 : i32
    %dma_wait3A_241 = tpu.memref_slice %arg4[%mul3A_229, %dma_wait3A_240] : memref<819200x128xf32, #tpu.memory_space<hbm>> -> memref<128x128xf32, #tpu.memory_space<hbm>>
    %dma_wait3A_242 = arith.constant 0 : i32
    %dma_wait3A_243 = arith.constant 0 : i32
    %dma_wait3A_244 = tpu.memref_slice %arg6[%dma_wait3A_230, %dma_wait3A_242, %dma_wait3A_243] : memref<4x128x128xf32, #tpu.memory_space<vmem>> -> memref<1x128x128xf32, #tpu.memory_space<vmem>>
    %dma_wait3A_245 = tpu.memref_squeeze %dma_wait3A_244 : memref<1x128x128xf32, #tpu.memory_space<vmem>> -> memref<128x128xf32, #tpu.memory_space<vmem>>
    tpu.wait_dma2 semaphore(%dma_wait3A_239 : memref<!tpu.dma_semaphore, #tpu.memory_space<semaphore_mem>>) src(%dma_wait3A_245 : memref<128x128xf32, #tpu.memory_space<vmem>>) dst(%dma_wait3A_241 : memref<128x128xf32, #tpu.memory_space<hbm>>)
    %add3A_246 = arith.constant 198 : i32
    %add3A_247 = arith.addi %mul3A_2, %add3A_246 : i32
    %mul3A_248 = arith.constant 128 : i32
    %mul3A_249 = arith.muli %add3A_247, %mul3A_248 : i32
    %dma_wait3A_250 = arith.constant 2 : i32
    %dma_wait3A_251 = arith.constant 2 : i32
    %dma_wait3A_252 = arith.constant 0 : i32
    %dma_wait3A_253 = arith.constant 0 : i32
    %dma_wait3A_254 = tpu.memref_slice %arg6[%dma_wait3A_250, %dma_wait3A_252, %dma_wait3A_253] : memref<4x128x128xf32, #tpu.memory_space<vmem>> -> memref<1x128x128xf32, #tpu.memory_space<vmem>>
    %dma_wait3A_255 = tpu.memref_squeeze %dma_wait3A_254 : memref<1x128x128xf32, #tpu.memory_space<vmem>> -> memref<128x128xf32, #tpu.memory_space<vmem>>
    %dma_wait3A_256 = arith.constant 0 : i32
    %dma_wait3A_257 = tpu.memref_slice %arg4[%mul3A_249, %dma_wait3A_256] : memref<819200x128xf32, #tpu.memory_space<hbm>> -> memref<128x128xf32, #tpu.memory_space<hbm>>
    %dma_wait3A_258 = tpu.memref_slice %arg8[%dma_wait3A_251] : memref<4x!tpu.dma_semaphore, #tpu.memory_space<semaphore_mem>> -> memref<1x!tpu.dma_semaphore, #tpu.memory_space<semaphore_mem>>
    %dma_wait3A_259 = tpu.memref_squeeze %dma_wait3A_258 : memref<1x!tpu.dma_semaphore, #tpu.memory_space<semaphore_mem>> -> memref<!tpu.dma_semaphore, #tpu.memory_space<semaphore_mem>>
    %dma_wait3A_260 = arith.constant 0 : i32
    %dma_wait3A_261 = tpu.memref_slice %arg4[%mul3A_249, %dma_wait3A_260] : memref<819200x128xf32, #tpu.memory_space<hbm>> -> memref<128x128xf32, #tpu.memory_space<hbm>>
    %dma_wait3A_262 = arith.constant 0 : i32
    %dma_wait3A_263 = arith.constant 0 : i32
    %dma_wait3A_264 = tpu.memref_slice %arg6[%dma_wait3A_250, %dma_wait3A_262, %dma_wait3A_263] : memref<4x128x128xf32, #tpu.memory_space<vmem>> -> memref<1x128x128xf32, #tpu.memory_space<vmem>>
    %dma_wait3A_265 = tpu.memref_squeeze %dma_wait3A_264 : memref<1x128x128xf32, #tpu.memory_space<vmem>> -> memref<128x128xf32, #tpu.memory_space<vmem>>
    tpu.wait_dma2 semaphore(%dma_wait3A_259 : memref<!tpu.dma_semaphore, #tpu.memory_space<semaphore_mem>>) src(%dma_wait3A_265 : memref<128x128xf32, #tpu.memory_space<vmem>>) dst(%dma_wait3A_261 : memref<128x128xf32, #tpu.memory_space<hbm>>)
    %add3A_266 = arith.constant 199 : i32
    %add3A_267 = arith.addi %mul3A_2, %add3A_266 : i32
    %mul3A_268 = arith.constant 128 : i32
    %mul3A_269 = arith.muli %add3A_267, %mul3A_268 : i32
    %dma_wait3A_270 = arith.constant 3 : i32
    %dma_wait3A_271 = arith.constant 3 : i32
    %dma_wait3A_272 = arith.constant 0 : i32
    %dma_wait3A_273 = arith.constant 0 : i32
    %dma_wait3A_274 = tpu.memref_slice %arg6[%dma_wait3A_270, %dma_wait3A_272, %dma_wait3A_273] : memref<4x128x128xf32, #tpu.memory_space<vmem>> -> memref<1x128x128xf32, #tpu.memory_space<vmem>>
    %dma_wait3A_275 = tpu.memref_squeeze %dma_wait3A_274 : memref<1x128x128xf32, #tpu.memory_space<vmem>> -> memref<128x128xf32, #tpu.memory_space<vmem>>
    %dma_wait3A_276 = arith.constant 0 : i32
    %dma_wait3A_277 = tpu.memref_slice %arg4[%mul3A_269, %dma_wait3A_276] : memref<819200x128xf32, #tpu.memory_space<hbm>> -> memref<128x128xf32, #tpu.memory_space<hbm>>
    %dma_wait3A_278 = tpu.memref_slice %arg8[%dma_wait3A_271] : memref<4x!tpu.dma_semaphore, #tpu.memory_space<semaphore_mem>> -> memref<1x!tpu.dma_semaphore, #tpu.memory_space<semaphore_mem>>
    %dma_wait3A_279 = tpu.memref_squeeze %dma_wait3A_278 : memref<1x!tpu.dma_semaphore, #tpu.memory_space<semaphore_mem>> -> memref<!tpu.dma_semaphore, #tpu.memory_space<semaphore_mem>>
    %dma_wait3A_280 = arith.constant 0 : i32
    %dma_wait3A_281 = tpu.memref_slice %arg4[%mul3A_269, %dma_wait3A_280] : memref<819200x128xf32, #tpu.memory_space<hbm>> -> memref<128x128xf32, #tpu.memory_space<hbm>>
    %dma_wait3A_282 = arith.constant 0 : i32
    %dma_wait3A_283 = arith.constant 0 : i32
    %dma_wait3A_284 = tpu.memref_slice %arg6[%dma_wait3A_270, %dma_wait3A_282, %dma_wait3A_283] : memref<4x128x128xf32, #tpu.memory_space<vmem>> -> memref<1x128x128xf32, #tpu.memory_space<vmem>>
    %dma_wait3A_285 = tpu.memref_squeeze %dma_wait3A_284 : memref<1x128x128xf32, #tpu.memory_space<vmem>> -> memref<128x128xf32, #tpu.memory_space<vmem>>
    tpu.wait_dma2 semaphore(%dma_wait3A_279 : memref<!tpu.dma_semaphore, #tpu.memory_space<semaphore_mem>>) src(%dma_wait3A_285 : memref<128x128xf32, #tpu.memory_space<vmem>>) dst(%dma_wait3A_281 : memref<128x128xf32, #tpu.memory_space<hbm>>)
    return
  }
}

</mosaic_0001>

<sc_bundles>
// kernel: kernel.3.cloned.1.call-start
scs
__scs_entry_jumppad:
0x0: {  	(pc) =	sbr.rel $0x88, $3  }
0x1: {  	(tag) =	ssettag $0x0;
	lr =	simm.s32 $0x1  }
0x2: {  	[smem:$0x3F9F] =	sst lr;
	_ =	strace $0xD0000000  }
0x3: {  	_ = 	snop  }
0x4: {  	_ = 	snop  }
0x5: {  	_ = 	snop  }
0x6: {  	_ = 	snop  }
0x7: {  	_ = 	snop  }
__scs_overlays_trampoline_lowered:
0x8: {  	[smem:$0x3FAE] =	sst s0  }
0x9: {  	[smem:$0x3FAF] =	sst s1  }
0xa: {  	[smem:$0x3FB0] =	sst s2  }
0xb: {  	[smem:$0x3FB1] =	sst s3  }
0xc: {  	[smem:$0x3FB2] =	sst s4  }
0xd: {  	[smem:$0x3FB3] =	sst s5  }
0xe: {  	[smem:$0x3FB4] =	sst s6  }
0xf: {  	[smem:$0x3FB5] =	sst s7  }
0x10: {  	[smem:$0x3FB6] =	sst s8  }
0x11: {  	[smem:$0x3FB7] =	sst s9;
	s0 =	simm.s32 @!p0 $0x0  }
0x12: {  	s1 =	sld [smem:$0x3F9D];
	s0 =	simm.s32 @p0 $0x1  }
0x13: {  	[smem:$0x3FB8] =	sst s0;
	s0 =	simm.s32 @!p1 $0x0  }
0x14: {  	s2 =	sld [smem:$0x3F9C];
	s0 =	simm.s32 @p1 $0x1  }
0x15: {  	[smem:$0x3FB9] =	sst s0;
	s0 =	simm.s32 @!p2 $0x0  }
0x16: {  	s3 =	sld [smem:$0x3FDB];
	s0 =	simm.s32 @p2 $0x1  }
0x17: {  	s4 =	simm.s32 $0x1BF5;
	[smem:$0x3FBB] =	sst s0  }
0x18: {  	s0 =	sld [smem:$0x3F9E];
	_ =	swait.ge [sflag:s4], $0x0  }
0x19: {  	s7 =	sld [smem:$0x3F9F]  }
0x1a: {  	s8 =	sadd.s32 $0xFFFFE003, lr  }
0x1b: {  	s9 =	sadd.s32 $0xFFFFFEF7, lr;
	s5 =	simm.s32 $0xFFFFFFFF;
	p2 =	slt.u32 s8, $0xFFFFF086  }
0x1c: {  	p1 =	slt.u32 s9, $0xF7A;
	s5 =	simm.s32 @!p2 $0x0  }
0x1d: {  	s5 =	simm.s32 @p1 $0x1;
	p0 =	seq.s32 s7, s2  }
0x1e: {  	s7 =	smul.u32 @!p0 $0xF7A, s2;
	p2 =	seq.s32 @!p0 s5, $0x0  }
0x1f: {  	s9 =	smul.u32 $0xF7A, s1;
	s8 =	simm.s32 @!p0 $0x1BF5;
	p2 =	por !p2, p0  }
0x20: {  	[sflag:s8] =	ssyncset.s32 @!p0 $0xFFFFF086;
	s6 =	sadd.s32 @!p0 s3, s7;
	s7 =	simm.s32 @!p0 $0x108  }
0x21: {  	s3 =	sadd.s32 s3, s9;
	s6 =	sadd.s32 @!p0 $0x88, s6;
	s7 =	simm.s32 @p2 $0x1082  }
0x22: {  	[simem:s7], [sflag:s8] =	dma.local @!p0 [hbm:s6], $0xF7A  }
0x23: {  	s9 =	sor.u32 $0xD0000000, s2;
	s6 =	simm.s32 $0x108;
	_ =	swait.ge @!p0 [sflag:s8], $0x0  }
0x24: {  	s3 =	sadd.s32 $0x88, s3;
	s6 =	simm.s32 @!p1 $0x1082;
	[sflag:s4] =	ssyncset.s32 $0xFFFFF086  }
0x25: {  	[simem:s6], [sflag:s4] =	dma.local [hbm:s3], $0xF7A  }
0x26: {  	[smem:$0x3F9F] =	sst s1;
	(tag) =	ssettag s2;
	_ =	strace s9  }
0x27: {  	s1 =	sld [smem:$0x3FAF]  }
0x28: {  	s2 =	sld [smem:$0x3FB0]  }
0x29: {  	s4 =	sld [smem:$0x3FB2]  }
0x2a: {  	p0 =	seq.s32 s5, $0x0;
	s5 =	sld [smem:$0x3FB3]  }
0x2b: {  	s6 =	sld [smem:$0x3FB4]  }
0x2c: {  	s7 =	sld [smem:$0x3FB5]  }
0x2d: {  	s3 =	simm.s32 $0x108;
	s8 =	sld [smem:$0x3FB6]  }
0x2e: {  	s3 =	simm.s32 @!p0 $0x1082;
	s9 =	sld [smem:$0x3FB7]  }
0x2f: {  	lr =	sadd.s32 s0, s3;
	s0 =	sld [smem:$0x3FAE]  }
0x30: {  	s3 =	sld [smem:$0x3FB1]  }
0x31: {  	[smem:$0x3FBA] =	sst s10  }
0x32: {  	s10 =	sld [smem:$0x3FB8];
	_ =	sdelay $0x3  }
0x33: {  	p0 =	seq.s32 s10, $0x1;
	s10 =	sld [smem:$0x3FBA];
	_ =	sdelay $0x3  }
0x34: {  	[smem:$0x3FBA] =	sst s10  }
0x35: {  	s10 =	sld [smem:$0x3FB9];
	_ =	sdelay $0x3  }
0x36: {  	p1 =	seq.s32 s10, $0x1;
	s10 =	sld [smem:$0x3FBA];
	_ =	sdelay $0x3  }
0x37: {  	[smem:$0x3FBA] =	sst s10  }
0x38: {  	s10 =	sld [smem:$0x3FBB]  }
0x39: {  	_ = 	snop;
	(pc) =	sbr.ind lr, $3  }
0x3a: {  	_ = 	snop  }
0x3b: {  	_ = 	snop  }
0x3c: {  	p2 =	seq.s32 s10, $0x1;
	s10 =	sld [smem:$0x3FBA]  }
0x3d: {  	_ =	shalt  }
0x3e: {  	_ =	shalt  }
0x3f: {  	_ =	shalt  }
0x40: {  	_ =	shalt  }
0x41: {  	_ =	shalt  }
0x42: {  	_ =	shalt  }
0x43: {  	_ =	shalt  }
0x44: {  	_ =	shalt  }
0x45: {  	_ =	shalt  }
0x46: {  	_ =	shalt  }
0x47: {  	_ =	shalt  }
0x48: {  	_ =	shalt  }
0x49: {  	_ =	shalt  }
0x4a: {  	_ =	shalt  }
0x4b: {  	_ =	shalt  }
0x4c: {  	_ =	shalt  }
0x4d: {  	_ =	shalt  }
0x4e: {  	_ =	shalt  }
0x4f: {  	_ =	shalt  }
0x50: {  	_ =	shalt  }
0x51: {  	_ =	shalt  }
0x52: {  	_ =	shalt  }
0x53: {  	_ =	shalt  }
0x54: {  	_ =	shalt  }
0x55: {  	_ =	shalt  }
0x56: {  	_ =	shalt  }
0x57: {  	_ =	shalt  }
0x58: {  	_ =	shalt  }
0x59: {  	_ =	shalt  }
0x5a: {  	_ =	shalt  }
0x5b: {  	_ =	shalt  }
0x5c: {  	_ =	shalt  }
0x5d: {  	_ =	shalt  }
0x5e: {  	_ =	shalt  }
0x5f: {  	_ =	shalt  }
0x60: {  	_ =	shalt  }
0x61: {  	_ =	shalt  }
0x62: {  	_ =	shalt  }
0x63: {  	_ =	shalt  }
0x64: {  	_ =	shalt  }
0x65: {  	_ =	shalt  }
0x66: {  	_ =	shalt  }
0x67: {  	_ =	shalt  }
0x68: {  	_ =	shalt  }
0x69: {  	_ =	shalt  }
0x6a: {  	_ =	shalt  }
0x6b: {  	_ =	shalt  }
0x6c: {  	_ =	shalt  }
0x6d: {  	_ =	shalt  }
0x6e: {  	_ =	shalt  }
0x6f: {  	_ =	shalt  }
0x70: {  	_ =	shalt  }
0x71: {  	_ =	shalt  }
0x72: {  	_ =	shalt  }
0x73: {  	_ =	shalt  }
0x74: {  	_ =	shalt  }
0x75: {  	_ =	shalt  }
0x76: {  	_ =	shalt  }
0x77: {  	_ =	shalt  }
0x78: {  	_ =	shalt  }
0x79: {  	_ =	shalt  }
0x7a: {  	_ =	shalt  }
0x7b: {  	_ =	shalt  }
0x7c: {  	_ =	shalt  }
0x7d: {  	_ =	shalt  }
0x7e: {  	_ =	shalt  }
0x7f: {  	_ =	shalt  }
0x80: {  	_ =	shalt  }
0x81: {  	_ =	shalt  }
0x82: {  	_ =	shalt  }
0x83: {  	_ =	shalt  }
0x84: {  	_ =	shalt  }
0x85: {  	_ =	shalt  }
0x86: {  	_ =	shalt  }
0x87: {  	_ =	shalt  }
.Lfunc_end0:
.L_simem_size_0:
called_computation_lowered:
.L_overlay_start_0:
0x88: {  	s2 =	sld [smem:$0x3FD9]  }
0x89: {  	s3 =	sld [smem:$0x3FFE];
	_ =	sdelay $0x1  }
0x8a: {  	s1 =	srdreg.scid  }
0x8b: {  	s0 =	sand.u32 $0x1, s1  }
0x8c: {  	s17 =	sshll.u32 s0, $0xA;
	s2 =	sadd.s32 s3, s2  }
0x8d: {  	s2 =	sadd.s32 s2, s17  }
0x8e: {  	[smem:$0x3FC6] =	sst s2  }
0x8f: {  	_ = 	snop  }
0x90: {  	s2 =	sld [smem:$0x3FC8]  }
0x91: {  	s18 =	sld [smem:$0x3FD0];
	(tm) =	ssettm $0x1  }
0x92: {  	s4 =	sld [smem:$0x3FFB];
	_ =	sdelay $0x3  }
0x93: {  	_ =	strace s4  }
0x94: {  	s4 =	sld [smem:$0x3FFC];
	_ =	sdelay $0x3  }
0x95: {  	_ =	strace s4  }
0x96: {  	s4 =	sld [smem:$0x3FFD];
	_ =	sdelay $0x3  }
0x97: {  	_ =	strace s4  }
0x98: {  	_ =	strace $0x8FFFFFFF  }
0x99: {  	s19 =	sld [smem:$0x3FDB];
	_ =	sdelay $0x1  }
0x9a: {  	s5 =	simm.s32 $_scs_section_size  }
0x9b: {  	s6 =	simm.s32 $_size__tile_overlayer_lowered;
	s7 =	simm.s32 $_tile_overlayer_lowered  }
0x9c: {  	s22 =	simm.s32 $0x1BFF;
	s21 =	sshll.u32 s7, $0x1;
	s4 =	sadd.s32 s5, s19  }
0x9d: {  	s8 =	simm.s32 $0x0;
	s20 =	sshll.u32 s6, $0x1;
	s6 =	sadd.s32 s21, s4  }
0x9e: {  	[timem:s8], [sflag:s22] =	dma.local [hbm:s6], s20  }
0x9f: {  	_ =	swait.ge [sflag:s22], s20  }
0xa0: {  	s5 =	ssub.s32 $0x0, s20;
	[sflag:s22] =	ssyncset.done $0x0  }
0xa1: {  	[sflag:s22] =	ssyncadd.s32 s5;
	_ =	sdelay $0x1  }
0xa2: {  	s23 =	simm.s32 $0x1B8B  }
0xa3: {  	_ =	swait.ge [sflag:s23], $0x1  }
0xa4: {  	[sflag:s23] =	ssyncset.done $0x0  }
0xa5: {  	s25 =	simm.s32 $0x1B8E;
	s24 =	sld [smem:$0x3FFE];
	[sflag:s23] =	ssyncadd.s32 $0xFFFFFFFF  }
0xa6: {  	s26 =	simm.s32 $execute0_lowered;
	[smem:$0x3FD2] =	sst s25  }
0xa7: {  	s6 =	sshll.u32 s26, $0x1;
	_ =	strace $0x80000046;
	[dreg:$0x1] =	wrdreg $0xFFFFFFFF  }
0xa8: {  	s28 =	simm.s32 $_size_execute0_lowered;
	s4 =	sadd.s32 s4, s6;
	[dreg:$0x0] =	wrdreg $0x0  }
0xa9: {  	s6 =	sshll.u32 s28, $0x1;
	[dreg:$0x2] =	wrdreg s4  }
0xaa: {  	[dreg:$0x3] =	wrdreg s6  }
0xab: {  	[dreg:$0x4] =	wrdreg $0xC0  }
0xac: {  	_ =	task [dreg:s8], $0x5FFFF  }
0xad: {  	[dreg:$0x1] =	wrdreg $0xFFFFFFFF  }
0xae: {  	[dreg:$0x0] =	wrdreg $0x60  }
0xaf: {  	[dreg:$0x2] =	wrdreg s24  }
0xb0: {  	[dreg:$0x3] =	wrdreg s2  }
0xb1: {  	[dreg:$0x4] =	wrdreg s18  }
0xb2: {  	[dreg:$0x5] =	wrdreg $0x9  }
0xb3: {  	_ =	task.clear_ibuf [dreg:s8], $0x6FFFF;
	_ =	strace $0x90000046  }
0xb4: {  	s29 =	simm.s32 $0x9;
	_ =	strace $0x80000048  }
0xb5: {  	_ =	swait.ge [sflag:s29], $0x1  }
0xb6: {  	[sflag:s29] =	ssyncadd.s32 $0xFFFFFFFF  }
0xb7: {  	_ =	strace $0x90000048  }
0xb8: {  	_ =	sfence  }
0xb9: {  	s30 =	sld [smem:$0x0];
	_ =	sdelay $0x2  }
0xba: {  	s31 =	sshll.u32 s1, $0xD;
	s1 =	sshrl.u32 s1, $0x2  }
0xbb: {  	s3 =	sand.u32 $0x4000, s31;
	s1 =	sadd.s32 s1, s30  }
0xbc: {  	s0 =	sor.u32 s3, s0;
	s1 =	sshll.u32 s1, $0x11  }
0xbd: {  	s0 =	sor.u32 s1, s0  }
0xbe: {  	s0 =	sadd.s32 $0x8F2B, s0  }
0xbf: {  	[sflag:s0] =	ssyncadd.remote.s32 $0x1  }
0xc0: {  	_ =	sfence.sel $0xFFFF  }
0xc1: {  	[dreg:$0x0] =	wrdreg $0xFFFFFFFF;
	(pc) =	sbr.abs _section_cstart, $3  }
0xc2: {  	[dreg:$0x1] =	wrdreg $0xFFFFFFFF  }
0xc3: {  	_ =	task.clear_ibuf [dreg:s8], $0x2FFFF;
	_ =	strace $0x9FFFFFFF  }
0xc4: {  	(tm) =	ssettm $0x7FFFFFFF  }
0xc5: {  	_ =	shalt  }
tec
execute0_lowered:
.L_overlay_start_1:
0x0: {  	(tag) =	ssettag $0x1  }
0x1: {  	s0 =	rddreg [dreg:$0x0];
	s1 =	srdreg.scid  }
0x2: {  	s13 =	stileid.u32;
	s2 =	rddreg [dreg:$0x1]  }
0x3: {  	s12 =	rddreg [dreg:$0x2];
	s14 =	simm.s32 $0x80;
	s15 =	simm.s32 $0x6400  }
0x4: {  	s16 =	simm.s32 $0xA400;
	s18 =	simm.s32 $0xE400;
	s20 =	simm.s32 $0x12400  }
0x5: {  	s21 =	simm.s32 $0x1;
	s22 =	simm.s32 $0x2;
	s23 =	simm.s32 $0x3  }
0x6: {  	s24 =	simm.s32 $0x4;
	s28 =	simm.s32 $0x7;
	s8 =	smul.u32 $0x190, s13  }
0x7: {  	s1 =	sand.u32 $0x1, s1;
	s3 =	sshll.u32 s13, $0x1;
	s13 =	smul.u32 $0xC8000, s13  }
0x8: {  	s29 =	simm.s32 $0x8;
	s4 =	sor.u32 s1, s3;
	s10 =	smul.u32 $0xC8, s1  }
0x9: {  	s3 =	simm.s32 $0x0;
	s25 =	ssub.s32 $0x2, s1;
	s1 =	smul.u32 $0x64000, s1  }
0xa: {  	s30 =	simm.s32 $0x0;
	s5 =	smul.u32 $0xC80, s4;
	[smem:$0x7FF] =	sst s3  }
0xb: {  	s4 =	smul.u32 $0x320000, s4;
	s6 =	sshrl.u32 s25, $0x1;
	s31 =	sadd.s32 s13, s12  }
0xc: {  	s13 =	simm.s32 $0x9;
	_ =	strace $0x80000047;
	s11 =	ssub.s32 s25, s6  }
0xd: {  	s26 =	sadd.s32 s10, s8;
	s0 =	sadd.s32 s5, s0;
	s4 =	sshrl.u32 s4, $0x3  }
0xe: {  	s25 =	simm.s32 $0x5;
	s9 =	sadd.s32 s12, s4;
	s0 =	sadd.s32 $0x400, s0  }
0xf: {  	[dreg:$0x4] =	wrdreg s0;
	s5 =	sadd.s32 $0x62000, s9;
	s6 =	sadd.s32 $0x62800, s9  }
0x10: {  	s7 =	sadd.s32 $0x63000, s9;
	s8 =	sadd.s32 $0x63800, s9;
	s0 =	sshll.u32 s26, $0xB  }
0x11: {  	s9 =	smax.u32 s11, $0x1;
	s26 =	simm.s32 $0x6;
	s0 =	sadd.s32 s0, s12  }
0x12: {  	s12 =	sadd.s32 s1, s31;
	s10 =	sadd.s32 $0x1800, s0;
	s11 =	sadd.s32 $0x1000, s0  }
.LBB2_1:
0x13: {  	s0 =	rddreg [dreg:$0x4]  }
0x14: {  	[tilespmem:s3], [sflag:$0x9] =	stream.linear.gather [hbm4b:s0+s3], $0x6400, $0x38;
	[tilespmem:$0x16400] =	vst v63  }
0x15: {  	_ =	swait.ge [sflag:s13], $0x6400  }
0x16: {  	[sflag:s13] =	ssyncset.done $0x0  }
0x17: {  	[sflag:s13] =	ssyncadd.s32 $0xFFFF9C00  }
0x18: {  	[tilespmem:s15], [sflag:$0x1] =	stream.indirect.gather [hbm4b:s2+s14], $0x80, s3, s14, $0xb8;
	[tilespmem:$0x16400] =	vst v63  }
0x19: {  	_ = 	snop  }
0x1a: {  	[tilespmem:s16], [sflag:$0x2] =	stream.indirect.gather [hbm4b:s2+s14], $0x80, s14, s14, $0xb8;
	[tilespmem:$0x16400] =	vst v63  }
0x1b: {  	s17 =	simm.s32 $0x100  }
0x1c: {  	[tilespmem:s18], [sflag:$0x3] =	stream.indirect.gather [hbm4b:s2+s14], $0x80, s17, s14, $0xb8;
	[tilespmem:$0x16400] =	vst v63  }
0x1d: {  	s19 =	simm.s32 $0x180  }
0x1e: {  	[tilespmem:s20], [sflag:$0x4] =	stream.indirect.gather [hbm4b:s2+s14], $0x80, s19, s14, $0xb8;
	[tilespmem:$0x16400] =	vst v63  }
0x1f: {  	_ =	swait.ge [sflag:s21], $0x4000  }
0x20: {  	[sflag:s21] =	ssyncset.done $0x0  }
0x21: {  	[sflag:s21] =	ssyncadd.s32 $0xFFFFC000  }
0x22: {  	[hbm4b:s12+s3] =	stream.linear.scatter [tilespmem:s15], [sflag:$0x5], $0x4000, $0x38;
	[tilespmem:$0x16400] =	vst v63  }
0x23: {  	_ =	swait.ge [sflag:s22], $0x4000  }
0x24: {  	[sflag:s22] =	ssyncset.done $0x0  }
0x25: {  	s1 =	sadd.s32 $0xFFFFF000, s10;
	[sflag:s22] =	ssyncadd.s32 $0xFFFFC000  }
0x26: {  	[hbm4b:s1+s3] =	stream.linear.scatter [tilespmem:s16], [sflag:$0x6], $0x4000, $0x38;
	[tilespmem:$0x16400] =	vst v63  }
0x27: {  	_ =	swait.ge [sflag:s23], $0x4000  }
0x28: {  	[sflag:s23] =	ssyncset.done $0x0  }
0x29: {  	[sflag:s23] =	ssyncadd.s32 $0xFFFFC000  }
0x2a: {  	[hbm4b:s11+s3] =	stream.linear.scatter [tilespmem:s18], [sflag:$0x7], $0x4000, $0x38;
	[tilespmem:$0x16400] =	vst v63  }
0x2b: {  	_ =	swait.ge [sflag:s24], $0x4000  }
0x2c: {  	[sflag:s24] =	ssyncset.done $0x0  }
0x2d: {  	[sflag:s24] =	ssyncadd.s32 $0xFFFFC000  }
0x2e: {  	[hbm4b:s10+s3] =	stream.linear.scatter [tilespmem:s20], [sflag:$0x8], $0x4000, $0x38;
	[tilespmem:$0x16400] =	vst v63  }
0x2f: {  	_ =	swait.ge [sflag:s25], $0x4000  }
0x30: {  	[sflag:s25] =	ssyncset.done $0x0  }
0x31: {  	s4 =	simm.s32 $0x200;
	[sflag:s25] =	ssyncadd.s32 $0xFFFFC000  }
0x32: {  	[tilespmem:s15], [sflag:$0x1] =	stream.indirect.gather [hbm4b:s2+s14], $0x80, s4, s14, $0xb8;
	[tilespmem:$0x16400] =	vst v63  }
0x33: {  	_ =	swait.ge [sflag:s26], $0x4000  }
0x34: {  	[sflag:s26] =	ssyncset.done $0x0  }
0x35: {  	s17 =	simm.s32 $0x280;
	[sflag:s26] =	ssyncadd.s32 $0xFFFFC000  }
0x36: {  	[tilespmem:s16], [sflag:$0x2] =	stream.indirect.gather [hbm4b:s2+s14], $0x80, s17, s14, $0xb8;
	[tilespmem:$0x16400] =	vst v63  }
0x37: {  	_ =	swait.ge [sflag:s28], $0x4000  }
0x38: {  	[sflag:s28] =	ssyncset.done $0x0  }
0x39: {  	s19 =	simm.s32 $0x300;
	[sflag:s28] =	ssyncadd.s32 $0xFFFFC000  }
0x3a: {  	[tilespmem:s18], [sflag:$0x3] =	stream.indirect.gather [hbm4b:s2+s14], $0x80, s19, s14, $0xb8;
	[tilespmem:$0x16400] =	vst v63  }
0x3b: {  	s31 =	simm.s32 $0x800;
	_ =	swait.ge [sflag:s29], $0x4000  }
0x3c: {  	s0 =	sadd.s32 $0x2000, s12;
	s1 =	sadd.s32 $0x2000, s11;
	[sflag:s29] =	ssyncset.done $0x0  }
0x3d: {  	s17 =	sadd.s32 $0x2000, s10;
	s19 =	simm.s32 $0x380;
	[sflag:s29] =	ssyncadd.s32 $0xFFFFC000  }
.LBB2_2:
0x3e: {  	[tilespmem:s20], [sflag:$0x4] =	stream.indirect.gather [hbm4b:s2+s14], $0x80, s19, s14, $0xb8;
	[tilespmem:$0x16400] =	vst v63  }
0x3f: {  	s19 =	smov.u32 s31  }
0x40: {  	p0 =	sne.s32 s31, $0x18000;
	s31 =	sadd.s32 $0x800, s31;
	_ =	swait.ge [sflag:s21], $0x4000  }
0x41: {  	[sflag:s21] =	ssyncset.done $0x0  }
0x42: {  	[sflag:s21] =	ssyncadd.s32 $0xFFFFC000  }
0x43: {  	[hbm4b:s0+s3] =	stream.linear.scatter [tilespmem:s15], [sflag:$0x5], $0x4000, $0x38;
	[tilespmem:$0x16400] =	vst v63  }
0x44: {  	_ =	swait.ge [sflag:s22], $0x4000  }
0x45: {  	[sflag:s22] =	ssyncset.done $0x0  }
0x46: {  	s4 =	sadd.s32 $0xFFFFF000, s17;
	[sflag:s22] =	ssyncadd.s32 $0xFFFFC000  }
0x47: {  	[hbm4b:s4+s3] =	stream.linear.scatter [tilespmem:s16], [sflag:$0x6], $0x4000, $0x38;
	[tilespmem:$0x16400] =	vst v63  }
0x48: {  	_ =	swait.ge [sflag:s23], $0x4000  }
0x49: {  	[sflag:s23] =	ssyncset.done $0x0  }
0x4a: {  	[sflag:s23] =	ssyncadd.s32 $0xFFFFC000  }
0x4b: {  	[hbm4b:s1+s3] =	stream.linear.scatter [tilespmem:s18], [sflag:$0x7], $0x4000, $0x38;
	[tilespmem:$0x16400] =	vst v63  }
0x4c: {  	_ =	swait.ge [sflag:s24], $0x4000  }
0x4d: {  	[sflag:s24] =	ssyncset.done $0x0  }
0x4e: {  	[sflag:s24] =	ssyncadd.s32 $0xFFFFC000  }
0x4f: {  	[hbm4b:s17+s3] =	stream.linear.scatter [tilespmem:s20], [sflag:$0x8], $0x4000, $0x38;
	[tilespmem:$0x16400] =	vst v63  }
0x50: {  	_ =	swait.ge [sflag:s25], $0x4000  }
0x51: {  	s4 =	sshra.s32 s19, $0x2;
	[sflag:s25] =	ssyncset.done $0x0  }
0x52: {  	s19 =	sadd.s32 $0x200, s4;
	[sflag:s25] =	ssyncadd.s32 $0xFFFFC000  }
0x53: {  	[tilespmem:s15], [sflag:$0x1] =	stream.indirect.gather [hbm4b:s2+s14], $0x80, s19, s14, $0xb8;
	[tilespmem:$0x16400] =	vst v63  }
0x54: {  	_ =	swait.ge [sflag:s26], $0x4000  }
0x55: {  	[sflag:s26] =	ssyncset.done $0x0  }
0x56: {  	s19 =	sadd.s32 $0x280, s4;
	[sflag:s26] =	ssyncadd.s32 $0xFFFFC000  }
0x57: {  	[tilespmem:s16], [sflag:$0x2] =	stream.indirect.gather [hbm4b:s2+s14], $0x80, s19, s14, $0xb8;
	[tilespmem:$0x16400] =	vst v63  }
0x58: {  	_ =	swait.ge [sflag:s28], $0x4000  }
0x59: {  	[sflag:s28] =	ssyncset.done $0x0  }
.Ltmp0:
0x5a: {  	s19 =	sadd.s32 $0x300, s4;
	[sflag:s28] =	ssyncadd.s32 $0xFFFFC000;
	(pc) =	sbr.rel @p0 .LBB2_2-.Ltmp0, $4  }
0x5b: {  	[tilespmem:s18], [sflag:$0x3] =	stream.indirect.gather [hbm4b:s2+s14], $0x80, s19, s14, $0xb8;
	[tilespmem:$0x16400] =	vst v63  }
0x5c: {  	_ =	swait.ge [sflag:s29], $0x4000  }
0x5d: {  	s0 =	sadd.s32 $0x2000, s0;
	s1 =	sadd.s32 $0x2000, s1;
	[sflag:s29] =	ssyncset.done $0x0  }
0x5e: {  	s17 =	sadd.s32 $0x2000, s17;
	s19 =	sadd.s32 $0x380, s4;
	[sflag:s29] =	ssyncadd.s32 $0xFFFFC000  }
0x5f: {  	[tilespmem:s20], [sflag:$0x4] =	stream.indirect.gather [hbm4b:s2+s14], $0x80, s19, s14, $0xb8;
	[tilespmem:$0x16400] =	vst v63  }
0x60: {  	_ =	swait.ge [sflag:s21], $0x4000  }
0x61: {  	[sflag:s21] =	ssyncset.done $0x0  }
0x62: {  	[sflag:s21] =	ssyncadd.s32 $0xFFFFC000  }
0x63: {  	[hbm4b:s5+s3] =	stream.linear.scatter [tilespmem:s15], [sflag:$0x5], $0x4000, $0x38;
	[tilespmem:$0x16400] =	vst v63  }
0x64: {  	_ =	swait.ge [sflag:s22], $0x4000  }
0x65: {  	[sflag:s22] =	ssyncset.done $0x0  }
0x66: {  	[sflag:s22] =	ssyncadd.s32 $0xFFFFC000  }
0x67: {  	[hbm4b:s6+s3] =	stream.linear.scatter [tilespmem:s16], [sflag:$0x6], $0x4000, $0x38;
	[tilespmem:$0x16400] =	vst v63  }
0x68: {  	_ =	swait.ge [sflag:s23], $0x4000  }
0x69: {  	[sflag:s23] =	ssyncset.done $0x0  }
0x6a: {  	[sflag:s23] =	ssyncadd.s32 $0xFFFFC000  }
0x6b: {  	[hbm4b:s7+s3] =	stream.linear.scatter [tilespmem:s18], [sflag:$0x7], $0x4000, $0x38;
	[tilespmem:$0x16400] =	vst v63  }
0x6c: {  	_ =	swait.ge [sflag:s24], $0x4000  }
0x6d: {  	[sflag:s24] =	ssyncset.done $0x0  }
0x6e: {  	[sflag:s24] =	ssyncadd.s32 $0xFFFFC000  }
0x6f: {  	[hbm4b:s8+s3] =	stream.linear.scatter [tilespmem:s20], [sflag:$0x8], $0x4000, $0x38;
	[tilespmem:$0x16400] =	vst v63  }
0x70: {  	_ =	swait.ge [sflag:s25], $0x4000  }
0x71: {  	[sflag:s25] =	ssyncset.done $0x0  }
0x72: {  	[sflag:s25] =	ssyncadd.s32 $0xFFFFC000  }
0x73: {  	_ =	swait.ge [sflag:s26], $0x4000  }
0x74: {  	[sflag:s26] =	ssyncset.done $0x0  }
0x75: {  	s30 =	sadd.s32 $0x1, s30;
	[sflag:s26] =	ssyncadd.s32 $0xFFFFC000  }
0x76: {  	p0 =	sne.s32 s30, s9;
	_ =	swait.ge [sflag:s28], $0x4000  }
.Ltmp1:
0x77: {  	[sflag:s28] =	ssyncset.done $0x0;
	(pc) =	sbr.rel @p0 .LBB2_1-.Ltmp1, $4  }
0x78: {  	[sflag:s28] =	ssyncadd.s32 $0xFFFFC000  }
0x79: {  	_ =	swait.ge [sflag:s29], $0x4000  }
0x7a: {  	[sflag:s29] =	ssyncset.done $0x0  }
0x7b: {  	[sflag:s29] =	ssyncadd.s32 $0xFFFFC000  }
0x7c: {  	_ =	sfence.sel $0x180000  }
0x7d: {  	[bflag:$0x0] =	sbarrier.arrive $0xFFFF  }
0x7e: {  	_ =	strace $0x90000047  }
0x7f: {  	s0 =	stileid.u32;
	[bflag:$0x2] =	sbarrier.arrive $0xFFFF  }
0x80: {  	p0 =	sne.s32 s0, $0x0;
	s0 =	rddreg [dreg:$0x3]  }
0x81: {  	s0 =	sadd.s32 @!p0 $0x100000, s0  }
0x82: {  	[sflag:s0] =	ssyncadd.tile.s32 @!p0 $0x1;
	_ =	shalt  }
.Lfunc_end2:
_tile_overlayer_lowered:
.L_overlay_start_2:
0x83: {  	(tag) =	ssettag $0x2  }
0x84: {  	s0 =	rddreg [dreg:$0x0];
	s2 =	stileid.u32  }
0x85: {  	s1 =	rddreg [dreg:$0x1];
	p0 =	sne.s32 s2, $0x0  }
0x86: {  	s3 =	rddreg [dreg:$0x2];
	[bflag:$0x3] =	sbarrier.arrive $0xFFFF;
	s2 =	simm.s32 @!p0 $0x1C09  }
0x87: {  	[timem:s3], [sflag:s2] =	dma.local @!p0 [hbm:s0], s1  }
0x88: {  	s0 =	simm.s32 @!p0 $0x9  }
0x89: {  	_ =	swait.ge @!p0 [sflag:s0], s1  }
0x8a: {  	s1 =	ssub.s32 @!p0 $0x0, s1;
	[sflag:s0] =	ssyncset.done @!p0 $0x0  }
0x8b: {  	[sflag:s0] =	ssyncadd.s32 @!p0 s1  }
0x8c: {  	[bflag:$0x3] =	sbarrier.arrive $0xFFFF  }
0x8d: {  	_ =	shalt  }

</sc_bundles>
